<compile_context>
chip_gen: v7x
topology: tpu7x:2x2x1
jax: 0.10.2.dev20260603
libtpu: 0.0.44.dev20260713+nightly
codegen_flags: <defaults>
</compile_context>

<pallas_src>
import functools

import jax
import jax.numpy as jnp
from jax import lax
from jax.experimental import pallas as pl
from jax.experimental.pallas import tpu as pltpu
from jax.experimental.pallas import tpu_sc as plsc

NC = 2
NS = 16
NW = NC * NS
LANES = 16
CHUNK = 125
N_PAD = 10240
RING = 2
UNIT = 40
UNITS_PER_TILE = 2


def _sc_agg(x, edges3, n_units):
    cin = x.shape[1]
    rows_per_sub = N_PAD // NS
    assert n_units == UNITS_PER_TILE * NW
    n_groups = UNIT // RING

    mesh = plsc.VectorSubcoreMesh(core_axis_name="c", subcore_axis_name="s")

    @functools.partial(
        pl.kernel,
        out_type=jax.ShapeDtypeStruct((NC, N_PAD, cin), jnp.float32),
        mesh=mesh,
        scratch_types=[
            pltpu.VMEM((UNIT, CHUNK), jnp.int32),
            pltpu.VMEM((UNIT, CHUNK), jnp.int32),
            pltpu.VMEM((UNIT, cin), jnp.float32),
            *[pltpu.VMEM((CHUNK, cin), jnp.float32) for _ in range(RING)],
            pltpu.VMEM_SHARED((N_PAD, cin), jnp.float32),
            *[pltpu.SemaphoreType.DMA for _ in range(RING)],
        ],
    )
    def body(x_hbm, edges_hbm, out_hbm, src_v, dst_v, zbuf, *rest):
        rows_v = rest[:RING]
        agg_sh = rest[RING]
        gsem = rest[RING + 1:RING + 1 + RING]
        c = lax.axis_index("c")
        s = lax.axis_index("s")
        wid = c * NS + s

        def gather(j, b):
            pltpu.async_copy(x_hbm.at[src_v.at[j]], rows_v[b], gsem[b])

        def gather_wait(b):
            pltpu.make_async_copy(x_hbm.at[src_v.at[0]], rows_v[b],
                                  gsem[b]).wait()

        def scatter(j, b):
            pltpu.sync_copy(rows_v[b], agg_sh.at[dst_v.at[j]], add=True)

        def stage_unit(unit):
            c0 = unit * UNIT
            pltpu.sync_copy(edges_hbm.at[0, pl.ds(c0, UNIT)], src_v)
            pltpu.sync_copy(edges_hbm.at[1, pl.ds(c0, UNIT)], dst_v)

        stage_unit(wid)
        gather(0, 0)
        gather(1, 1)

        def zrow(i, _):
            def zcol(k, __):
                zbuf[i, pl.ds(k * LANES, LANES)] = jnp.zeros(
                    (LANES,), jnp.float32)
                return 0
            return lax.fori_loop(0, cin // LANES, zcol, 0)
        lax.fori_loop(0, UNIT, zrow, 0)

        base = s * rows_per_sub
        for m in range(rows_per_sub // UNIT):
            pltpu.sync_copy(zbuf, agg_sh.at[pl.ds(base + m * UNIT, UNIT)])
        plsc.subcore_barrier()

        def pipeline():
            def group(g, _):
                j = g * RING
                gather_wait(0)
                scatter(j, 0)
                gather(j + RING, 0)
                gather_wait(1)
                scatter(j + 1, 1)
                gather(j + RING + 1, 1)
                return 0
            lax.fori_loop(0, n_groups - 1, group, 0)
            jlast = (n_groups - 1) * RING
            gather_wait(0)
            scatter(jlast, 0)
            gather_wait(1)
            scatter(jlast + 1, 1)

        pipeline()
        for p in range(1, UNITS_PER_TILE):
            stage_unit(p * NW + wid)
            gather(0, 0)
            gather(1, 1)
            pipeline()

        plsc.subcore_barrier()
        pltpu.sync_copy(agg_sh.at[pl.ds(base, rows_per_sub)],
                        out_hbm.at[c, pl.ds(base, rows_per_sub)])

    return body(x, edges3)


def _tc_combine(parts, x, w_rel, w_root):
    n, cin = x.shape
    cout = w_rel.shape[0]
    bm = 1000

    def body(a0_ref, a1_ref, x_ref, wr_ref, wo_ref, o_ref):
        dnums = (((1,), (1,)), ((), ()))
        agg = a0_ref[0] + a1_ref[0]
        acc = lax.dot_general(agg, wr_ref[...], dnums,
                              preferred_element_type=jnp.float32)
        acc = acc + lax.dot_general(x_ref[...], wo_ref[...], dnums,
                                    preferred_element_type=jnp.float32)
        o_ref[...] = jnp.maximum(acc, 0.0)

    return pl.pallas_call(
        body,
        grid=(n // bm,),
        in_specs=[
            pl.BlockSpec((1, bm, cin), lambda i: (0, i, 0)),
            pl.BlockSpec((1, bm, cin), lambda i: (1, i, 0)),
            pl.BlockSpec((bm, cin), lambda i: (i, 0)),
            pl.BlockSpec((cout, cin), lambda i: (0, 0)),
            pl.BlockSpec((cout, cin), lambda i: (0, 0)),
        ],
        out_specs=pl.BlockSpec((bm, cout), lambda i: (i, 0)),
        out_shape=jax.ShapeDtypeStruct((n, cout), jnp.float32),
    )(parts, parts, x, w_rel, w_root)


def kernel(x, edge_index, W_rel, W_root):
    n = x.shape[0]
    e = edge_index.shape[1]

    n_units = UNITS_PER_TILE * NW
    assert n_units * UNIT * CHUNK == e
    edges3 = edge_index.astype(jnp.int32).reshape(2, e // CHUNK, CHUNK)

    parts = _sc_agg(x, edges3, n_units)
    return _tc_combine(parts, x, W_rel, W_root)

# --- scband reference (transcript-rebuilt; emitter-appended) ---
"""Pipeline reference for scband-gcnconv-89696097010217 (READ-ONLY COPY).

The authoritative reference and input builder live on the scoring server;
editing this copy changes nothing except your own understanding.
"""

import jax, jax.numpy as jnp
import numpy as np

N_NODES = 10000
N_EDGES = 320000
CIN = 128
COUT = 128


def setup_inputs(seed: int = 0) -> dict:
    key = jax.random.key(seed)
    k1, k2, k3, k4 = jax.random.split(key, 4)
    x = jax.random.normal(k1, (N_NODES, CIN), dtype=jnp.float32)
    edge_index = jax.random.randint(k2, (2, N_EDGES), 0, N_NODES, dtype=jnp.int64)
    # PyG GraphConv(cin, cout, bias=False): lin_rel (applied to aggregated
    # neighbor messages) and lin_root (applied to root/self features), both bias-free.
    bound = 1.0 / np.sqrt(CIN)
    W_rel = jax.random.uniform(k3, (COUT, CIN), minval=-bound, maxval=bound, dtype=jnp.float32)
    W_root = jax.random.uniform(k4, (COUT, CIN), minval=-bound, maxval=bound, dtype=jnp.float32)
    return {"x": x, "edge_index": edge_index, "W_rel": W_rel, "W_root": W_root}


def reference(x, edge_index, W_rel, W_root):
    # GraphConv with aggr='add': out_i = W_rel @ (sum_{j in N(i)} x_j) + W_root @ x_i
    src = edge_index[0]  # message source j
    dst = edge_index[1]  # message destination i
    msgs = jnp.take(x, src, axis=0)                      # gather: [E, cin]
    agg = jax.ops.segment_sum(msgs, dst, num_segments=x.shape[0])  # scatter-add: [N, cin]
    out = agg @ W_rel.T + x @ W_root.T                   # [N, cout]
    return jax.nn.relu(out)

if __name__ == "__main__":
    import jax
    _d = setup_inputs()
    print(jax.jit(kernel)(*tuple(_d.values())))

</pallas_src>

<mosaic_0001>
#map = affine_map<(d0, d1) -> (0, 0)>
#map1 = affine_map<(d0, d1) -> (0, 0, 0)>
module attributes {stable_mosaic.version = 14 : i64} {
  func.func @body(%arg0: i32, %arg1: i32, %arg2: memref<10000x128xf32, #tpu.memory_space<hbm>>, %arg3: memref<2x2560x125xi32, #tpu.memory_space<hbm>>, %arg4: memref<2x10240x128xf32, #tpu.memory_space<hbm>>, %arg5: memref<40x125xi32, #tpu.memory_space<vmem>>, %arg6: memref<40x125xi32, #tpu.memory_space<vmem>>, %arg7: memref<40x128xf32, #tpu.memory_space<vmem>>, %arg8: memref<125x128xf32, #tpu.memory_space<vmem>>, %arg9: memref<125x128xf32, #tpu.memory_space<vmem>>, %arg10: memref<10240x128xf32, #tpu.memory_space<vmem_shared>>, %arg11: memref<!tpu.dma_semaphore, #tpu.memory_space<semaphore_mem>>, %arg12: memref<!tpu.dma_semaphore, #tpu.memory_space<semaphore_mem>>) attributes {dimension_semantics = [#tpu.dimension_semantics<core_parallel>, #tpu.dimension_semantics<subcore_parallel>], iteration_bounds = array<i64: 2, 16>, scalar_prefetch = 0 : i64, scratch_operands = 8 : i64, tpu.core_type = #tpu.core_type<sc_vector_subcore>, window_params = [{transform_indices = #map}, {transform_indices = #map1}, {transform_indices = #map1}]} {
    %mul3A = arith.constant 16 : i32
    %mul3A_0 = arith.muli %arg0, %mul3A : i32
    %add3A = arith.addi %mul3A_0, %arg1 : i32
    %mul3A_1 = arith.constant 40 : i32
    %mul3A_2 = arith.muli %add3A, %mul3A_1 : i32
    %run_scoped3A = arith.constant 0 : i32
    "tpu.region"() ({
      %run_scoped3A_123 = tpu.sem_alloc : memref<!tpu.dma_semaphore, #tpu.memory_space<semaphore_mem>>
      %dma_start3A_124 = arith.constant 0 : i32
      %dma_start3A_125 = tpu.memref_slice %arg3[%run_scoped3A, %mul3A_2, %dma_start3A_124] : memref<2x2560x125xi32, #tpu.memory_space<hbm>> -> memref<1x40x125xi32, #tpu.memory_space<hbm>>
      %dma_start3A_126 = tpu.memref_squeeze %dma_start3A_125 : memref<1x40x125xi32, #tpu.memory_space<hbm>> -> memref<40x125xi32, #tpu.memory_space<hbm>>
      %dma_start3A_127 = arith.constant 0 : i32
      %dma_start3A_128 = tpu.memref_slice %arg3[%run_scoped3A, %mul3A_2, %dma_start3A_127] : memref<2x2560x125xi32, #tpu.memory_space<hbm>> -> memref<1x40x125xi32, #tpu.memory_space<hbm>>
      %dma_start3A_129 = tpu.memref_squeeze %dma_start3A_128 : memref<1x40x125xi32, #tpu.memory_space<hbm>> -> memref<40x125xi32, #tpu.memory_space<hbm>>
      tpu.enqueue_dma source(%dma_start3A_129 : memref<40x125xi32, #tpu.memory_space<hbm>>) target(%arg5 : memref<40x125xi32, #tpu.memory_space<vmem>>) target_semaphore(%run_scoped3A_123 : memref<!tpu.dma_semaphore, #tpu.memory_space<semaphore_mem>>)
      %dma_wait3A_130 = arith.constant 0 : i32
      %dma_wait3A_131 = tpu.memref_slice %arg3[%run_scoped3A, %mul3A_2, %dma_wait3A_130] : memref<2x2560x125xi32, #tpu.memory_space<hbm>> -> memref<1x40x125xi32, #tpu.memory_space<hbm>>
      %dma_wait3A_132 = tpu.memref_squeeze %dma_wait3A_131 : memref<1x40x125xi32, #tpu.memory_space<hbm>> -> memref<40x125xi32, #tpu.memory_space<hbm>>
      %dma_wait3A_133 = arith.constant 0 : i32
      %dma_wait3A_134 = tpu.memref_slice %arg3[%run_scoped3A, %mul3A_2, %dma_wait3A_133] : memref<2x2560x125xi32, #tpu.memory_space<hbm>> -> memref<1x40x125xi32, #tpu.memory_space<hbm>>
      %dma_wait3A_135 = tpu.memref_squeeze %dma_wait3A_134 : memref<1x40x125xi32, #tpu.memory_space<hbm>> -> memref<40x125xi32, #tpu.memory_space<hbm>>
      tpu.wait_dma2 semaphore(%run_scoped3A_123 : memref<!tpu.dma_semaphore, #tpu.memory_space<semaphore_mem>>) src(%dma_wait3A_135 : memref<40x125xi32, #tpu.memory_space<hbm>>) dst(%arg5 : memref<40x125xi32, #tpu.memory_space<vmem>>)
      tpu.yield
    }) : () -> ()
    %run_scoped3A_3 = arith.constant 1 : i32
    "tpu.region"() ({
      %run_scoped3A_123 = tpu.sem_alloc : memref<!tpu.dma_semaphore, #tpu.memory_space<semaphore_mem>>
      %dma_start3A_124 = arith.constant 0 : i32
      %dma_start3A_125 = tpu.memref_slice %arg3[%run_scoped3A_3, %mul3A_2, %dma_start3A_124] : memref<2x2560x125xi32, #tpu.memory_space<hbm>> -> memref<1x40x125xi32, #tpu.memory_space<hbm>>
      %dma_start3A_126 = tpu.memref_squeeze %dma_start3A_125 : memref<1x40x125xi32, #tpu.memory_space<hbm>> -> memref<40x125xi32, #tpu.memory_space<hbm>>
      %dma_start3A_127 = arith.constant 0 : i32
      %dma_start3A_128 = tpu.memref_slice %arg3[%run_scoped3A_3, %mul3A_2, %dma_start3A_127] : memref<2x2560x125xi32, #tpu.memory_space<hbm>> -> memref<1x40x125xi32, #tpu.memory_space<hbm>>
      %dma_start3A_129 = tpu.memref_squeeze %dma_start3A_128 : memref<1x40x125xi32, #tpu.memory_space<hbm>> -> memref<40x125xi32, #tpu.memory_space<hbm>>
      tpu.enqueue_dma source(%dma_start3A_129 : memref<40x125xi32, #tpu.memory_space<hbm>>) target(%arg6 : memref<40x125xi32, #tpu.memory_space<vmem>>) target_semaphore(%run_scoped3A_123 : memref<!tpu.dma_semaphore, #tpu.memory_space<semaphore_mem>>)
      %dma_wait3A_130 = arith.constant 0 : i32
      %dma_wait3A_131 = tpu.memref_slice %arg3[%run_scoped3A_3, %mul3A_2, %dma_wait3A_130] : memref<2x2560x125xi32, #tpu.memory_space<hbm>> -> memref<1x40x125xi32, #tpu.memory_space<hbm>>
      %dma_wait3A_132 = tpu.memref_squeeze %dma_wait3A_131 : memref<1x40x125xi32, #tpu.memory_space<hbm>> -> memref<40x125xi32, #tpu.memory_space<hbm>>
      %dma_wait3A_133 = arith.constant 0 : i32
      %dma_wait3A_134 = tpu.memref_slice %arg3[%run_scoped3A_3, %mul3A_2, %dma_wait3A_133] : memref<2x2560x125xi32, #tpu.memory_space<hbm>> -> memref<1x40x125xi32, #tpu.memory_space<hbm>>
      %dma_wait3A_135 = tpu.memref_squeeze %dma_wait3A_134 : memref<1x40x125xi32, #tpu.memory_space<hbm>> -> memref<40x125xi32, #tpu.memory_space<hbm>>
      tpu.wait_dma2 semaphore(%run_scoped3A_123 : memref<!tpu.dma_semaphore, #tpu.memory_space<semaphore_mem>>) src(%dma_wait3A_135 : memref<40x125xi32, #tpu.memory_space<hbm>>) dst(%arg6 : memref<40x125xi32, #tpu.memory_space<vmem>>)
      tpu.yield
    }) : () -> ()
    %dma_start3A = arith.constant 0 : i32
    %dma_start3A_4 = arith.constant 0 : i32
    %dma_start3A_5 = tpu.memref_slice %arg5[%dma_start3A, %dma_start3A_4] : memref<40x125xi32, #tpu.memory_space<vmem>> -> memref<1x125xi32, #tpu.memory_space<vmem>>
    %dma_start3A_6 = tpu.memref_squeeze %dma_start3A_5 : memref<1x125xi32, #tpu.memory_space<vmem>> -> memref<125xi32, #tpu.memory_space<vmem>>
    %dma_start3A_7 = arith.constant 0 : i32
    %dma_start3A_8 = arith.constant 0 : i32
    %dma_start3A_9 = tpu.memref_slice %arg2[%dma_start3A_7, %dma_start3A_8] : memref<10000x128xf32, #tpu.memory_space<hbm>> -> memref<10000x128xf32, #tpu.memory_space<hbm>>
    tpu.enqueue_indirect_dma source(%dma_start3A_9 : memref<10000x128xf32, #tpu.memory_space<hbm>>) target(%arg8 : memref<125x128xf32, #tpu.memory_space<vmem>>) offsets(%dma_start3A_6 : memref<125xi32, #tpu.memory_space<vmem>>) semaphore(%arg11 : memref<!tpu.dma_semaphore, #tpu.memory_space<semaphore_mem>>)
    %dma_start3A_10 = arith.constant 1 : i32
    %dma_start3A_11 = arith.constant 0 : i32
    %dma_start3A_12 = tpu.memref_slice %arg5[%dma_start3A_10, %dma_start3A_11] : memref<40x125xi32, #tpu.memory_space<vmem>> -> memref<1x125xi32, #tpu.memory_space<vmem>>
    %dma_start3A_13 = tpu.memref_squeeze %dma_start3A_12 : memref<1x125xi32, #tpu.memory_space<vmem>> -> memref<125xi32, #tpu.memory_space<vmem>>
    %dma_start3A_14 = arith.constant 0 : i32
    %dma_start3A_15 = arith.constant 0 : i32
    %dma_start3A_16 = tpu.memref_slice %arg2[%dma_start3A_14, %dma_start3A_15] : memref<10000x128xf32, #tpu.memory_space<hbm>> -> memref<10000x128xf32, #tpu.memory_space<hbm>>
    tpu.enqueue_indirect_dma source(%dma_start3A_16 : memref<10000x128xf32, #tpu.memory_space<hbm>>) target(%arg9 : memref<125x128xf32, #tpu.memory_space<vmem>>) offsets(%dma_start3A_13 : memref<125xi32, #tpu.memory_space<vmem>>) semaphore(%arg12 : memref<!tpu.dma_semaphore, #tpu.memory_space<semaphore_mem>>)
    %scan3A = arith.constant 0 : i32
    %scan3A_17 = arith.constant 0 : i32
    %scan3A_18 = arith.constant 40 : i32
    %scan3A_19 = arith.addi %scan3A_17, %scan3A_18 : i32
    %scan3A_20 = arith.constant 1 : i32
    %scan3A_21 = scf.for %scan3A_123 = %scan3A_17 to %scan3A_19 step %scan3A_20 iter_args(%scan3A_124 = %scan3A) -> (i32)  : i32 {
      %scan3A_125 = arith.constant 0 : i32
      %scan3A_126 = arith.constant 0 : i32
      %scan3A_127 = arith.constant 8 : i32
      %scan3A_128 = arith.addi %scan3A_126, %scan3A_127 : i32
      %scan3A_129 = arith.constant 1 : i32
      %scan3A_130 = scf.for %scan3A_132 = %scan3A_126 to %scan3A_128 step %scan3A_129 iter_args(%scan3A_133 = %scan3A_125) -> (i32)  : i32 {
        %broadcast_in_dim3A = arith.constant 0.000000e+00 : f32
        %broadcast_in_dim3A_134 = vector.broadcast %broadcast_in_dim3A : f32 to vector<16xf32>
        %mul3A_135 = arith.constant 16 : i32
        %mul3A_136 = arith.muli %scan3A_132, %mul3A_135 : i32
        %swap3A = arith.index_cast %scan3A_123 : i32 to index
        %swap3A_137 = arith.index_cast %mul3A_136 : i32 to index
        %swap3A_138 = tpu.vector_load %arg7[%swap3A, %swap3A_137] {strides = array<i32>} : memref<40x128xf32, #tpu.memory_space<vmem>>, vector<1x16xf32>,
        %swap3A_139 = vector.shape_cast %swap3A_138 : vector<1x16xf32> to vector<16xf32>
        %swap3A_140 = vector.shape_cast %broadcast_in_dim3A_134 : vector<16xf32> to vector<1x16xf32>
        tpu.vector_store %arg7[%swap3A, %swap3A_137], %swap3A_140 {strides = array<i32>} : memref<40x128xf32, #tpu.memory_space<vmem>>, vector<1x16xf32>,
        %scan3A_141 = arith.constant 0 : i32
        scf.yield %scan3A_141 : i32
      }
      %scan3A_131 = arith.constant 8 : i32
      scf.yield %scan3A_130 : i32
    }
    %scan3A_22 = arith.constant 40 : i32
    %mul3A_23 = arith.constant 640 : i32
    %mul3A_24 = arith.muli %arg1, %mul3A_23 : i32
    %add3A_25 = arith.constant 0 : i32
    %add3A_26 = arith.addi %mul3A_24, %add3A_25 : i32
    "tpu.region"() ({
      %run_scoped3A_123 = tpu.sem_alloc : memref<!tpu.dma_semaphore, #tpu.memory_space<semaphore_mem>>
      %dma_start3A_124 = arith.constant 0 : i32
      %dma_start3A_125 = tpu.memref_slice %arg10[%add3A_26, %dma_start3A_124] : memref<10240x128xf32, #tpu.memory_space<vmem_shared>> -> memref<40x128xf32, #tpu.memory_space<vmem_shared>>
      %dma_start3A_126 = arith.constant 0 : i32
      %dma_start3A_127 = tpu.memref_slice %arg10[%add3A_26, %dma_start3A_126] : memref<10240x128xf32, #tpu.memory_space<vmem_shared>> -> memref<40x128xf32, #tpu.memory_space<vmem_shared>>
      tpu.enqueue_dma source(%arg7 : memref<40x128xf32, #tpu.memory_space<vmem>>) target(%dma_start3A_127 : memref<40x128xf32, #tpu.memory_space<vmem_shared>>) target_semaphore(%run_scoped3A_123 : memref<!tpu.dma_semaphore, #tpu.memory_space<semaphore_mem>>)
      %dma_wait3A_128 = arith.constant 0 : i32
      %dma_wait3A_129 = tpu.memref_slice %arg10[%add3A_26, %dma_wait3A_128] : memref<10240x128xf32, #tpu.memory_space<vmem_shared>> -> memref<40x128xf32, #tpu.memory_space<vmem_shared>>
      %dma_wait3A_130 = arith.constant 0 : i32
      %dma_wait3A_131 = tpu.memref_slice %arg10[%add3A_26, %dma_wait3A_130] : memref<10240x128xf32, #tpu.memory_space<vmem_shared>> -> memref<40x128xf32, #tpu.memory_space<vmem_shared>>
      tpu.wait_dma2 semaphore(%run_scoped3A_123 : memref<!tpu.dma_semaphore, #tpu.memory_space<semaphore_mem>>) src(%arg7 : memref<40x128xf32, #tpu.memory_space<vmem>>) dst(%dma_wait3A_131 : memref<40x128xf32, #tpu.memory_space<vmem_shared>>)
      tpu.yield
    }) : () -> ()
    %add3A_27 = arith.constant 40 : i32
    %add3A_28 = arith.addi %mul3A_24, %add3A_27 : i32
    "tpu.region"() ({
      %run_scoped3A_123 = tpu.sem_alloc : memref<!tpu.dma_semaphore, #tpu.memory_space<semaphore_mem>>
      %dma_start3A_124 = arith.constant 0 : i32
      %dma_start3A_125 = tpu.memref_slice %arg10[%add3A_28, %dma_start3A_124] : memref<10240x128xf32, #tpu.memory_space<vmem_shared>> -> memref<40x128xf32, #tpu.memory_space<vmem_shared>>
      %dma_start3A_126 = arith.constant 0 : i32
      %dma_start3A_127 = tpu.memref_slice %arg10[%add3A_28, %dma_start3A_126] : memref<10240x128xf32, #tpu.memory_space<vmem_shared>> -> memref<40x128xf32, #tpu.memory_space<vmem_shared>>
      tpu.enqueue_dma source(%arg7 : memref<40x128xf32, #tpu.memory_space<vmem>>) target(%dma_start3A_127 : memref<40x128xf32, #tpu.memory_space<vmem_shared>>) target_semaphore(%run_scoped3A_123 : memref<!tpu.dma_semaphore, #tpu.memory_space<semaphore_mem>>)
      %dma_wait3A_128 = arith.constant 0 : i32
      %dma_wait3A_129 = tpu.memref_slice %arg10[%add3A_28, %dma_wait3A_128] : memref<10240x128xf32, #tpu.memory_space<vmem_shared>> -> memref<40x128xf32, #tpu.memory_space<vmem_shared>>
      %dma_wait3A_130 = arith.constant 0 : i32
      %dma_wait3A_131 = tpu.memref_slice %arg10[%add3A_28, %dma_wait3A_130] : memref<10240x128xf32, #tpu.memory_space<vmem_shared>> -> memref<40x128xf32, #tpu.memory_space<vmem_shared>>
      tpu.wait_dma2 semaphore(%run_scoped3A_123 : memref<!tpu.dma_semaphore, #tpu.memory_space<semaphore_mem>>) src(%arg7 : memref<40x128xf32, #tpu.memory_space<vmem>>) dst(%dma_wait3A_131 : memref<40x128xf32, #tpu.memory_space<vmem_shared>>)
      tpu.yield
    }) : () -> ()
    %add3A_29 = arith.constant 80 : i32
    %add3A_30 = arith.addi %mul3A_24, %add3A_29 : i32
    "tpu.region"() ({
      %run_scoped3A_123 = tpu.sem_alloc : memref<!tpu.dma_semaphore, #tpu.memory_space<semaphore_mem>>
      %dma_start3A_124 = arith.constant 0 : i32
      %dma_start3A_125 = tpu.memref_slice %arg10[%add3A_30, %dma_start3A_124] : memref<10240x128xf32, #tpu.memory_space<vmem_shared>> -> memref<40x128xf32, #tpu.memory_space<vmem_shared>>
      %dma_start3A_126 = arith.constant 0 : i32
      %dma_start3A_127 = tpu.memref_slice %arg10[%add3A_30, %dma_start3A_126] : memref<10240x128xf32, #tpu.memory_space<vmem_shared>> -> memref<40x128xf32, #tpu.memory_space<vmem_shared>>
      tpu.enqueue_dma source(%arg7 : memref<40x128xf32, #tpu.memory_space<vmem>>) target(%dma_start3A_127 : memref<40x128xf32, #tpu.memory_space<vmem_shared>>) target_semaphore(%run_scoped3A_123 : memref<!tpu.dma_semaphore, #tpu.memory_space<semaphore_mem>>)
      %dma_wait3A_128 = arith.constant 0 : i32
      %dma_wait3A_129 = tpu.memref_slice %arg10[%add3A_30, %dma_wait3A_128] : memref<10240x128xf32, #tpu.memory_space<vmem_shared>> -> memref<40x128xf32, #tpu.memory_space<vmem_shared>>
      %dma_wait3A_130 = arith.constant 0 : i32
      %dma_wait3A_131 = tpu.memref_slice %arg10[%add3A_30, %dma_wait3A_130] : memref<10240x128xf32, #tpu.memory_space<vmem_shared>> -> memref<40x128xf32, #tpu.memory_space<vmem_shared>>
      tpu.wait_dma2 semaphore(%run_scoped3A_123 : memref<!tpu.dma_semaphore, #tpu.memory_space<semaphore_mem>>) src(%arg7 : memref<40x128xf32, #tpu.memory_space<vmem>>) dst(%dma_wait3A_131 : memref<40x128xf32, #tpu.memory_space<vmem_shared>>)
      tpu.yield
    }) : () -> ()
    %add3A_31 = arith.constant 120 : i32
    %add3A_32 = arith.addi %mul3A_24, %add3A_31 : i32
    "tpu.region"() ({
      %run_scoped3A_123 = tpu.sem_alloc : memref<!tpu.dma_semaphore, #tpu.memory_space<semaphore_mem>>
      %dma_start3A_124 = arith.constant 0 : i32
      %dma_start3A_125 = tpu.memref_slice %arg10[%add3A_32, %dma_start3A_124] : memref<10240x128xf32, #tpu.memory_space<vmem_shared>> -> memref<40x128xf32, #tpu.memory_space<vmem_shared>>
      %dma_start3A_126 = arith.constant 0 : i32
      %dma_start3A_127 = tpu.memref_slice %arg10[%add3A_32, %dma_start3A_126] : memref<10240x128xf32, #tpu.memory_space<vmem_shared>> -> memref<40x128xf32, #tpu.memory_space<vmem_shared>>
      tpu.enqueue_dma source(%arg7 : memref<40x128xf32, #tpu.memory_space<vmem>>) target(%dma_start3A_127 : memref<40x128xf32, #tpu.memory_space<vmem_shared>>) target_semaphore(%run_scoped3A_123 : memref<!tpu.dma_semaphore, #tpu.memory_space<semaphore_mem>>)
      %dma_wait3A_128 = arith.constant 0 : i32
      %dma_wait3A_129 = tpu.memref_slice %arg10[%add3A_32, %dma_wait3A_128] : memref<10240x128xf32, #tpu.memory_space<vmem_shared>> -> memref<40x128xf32, #tpu.memory_space<vmem_shared>>
      %dma_wait3A_130 = arith.constant 0 : i32
      %dma_wait3A_131 = tpu.memref_slice %arg10[%add3A_32, %dma_wait3A_130] : memref<10240x128xf32, #tpu.memory_space<vmem_shared>> -> memref<40x128xf32, #tpu.memory_space<vmem_shared>>
      tpu.wait_dma2 semaphore(%run_scoped3A_123 : memref<!tpu.dma_semaphore, #tpu.memory_space<semaphore_mem>>) src(%arg7 : memref<40x128xf32, #tpu.memory_space<vmem>>) dst(%dma_wait3A_131 : memref<40x128xf32, #tpu.memory_space<vmem_shared>>)
      tpu.yield
    }) : () -> ()
    %add3A_33 = arith.constant 160 : i32
    %add3A_34 = arith.addi %mul3A_24, %add3A_33 : i32
    "tpu.region"() ({
      %run_scoped3A_123 = tpu.sem_alloc : memref<!tpu.dma_semaphore, #tpu.memory_space<semaphore_mem>>
      %dma_start3A_124 = arith.constant 0 : i32
      %dma_start3A_125 = tpu.memref_slice %arg10[%add3A_34, %dma_start3A_124] : memref<10240x128xf32, #tpu.memory_space<vmem_shared>> -> memref<40x128xf32, #tpu.memory_space<vmem_shared>>
      %dma_start3A_126 = arith.constant 0 : i32
      %dma_start3A_127 = tpu.memref_slice %arg10[%add3A_34, %dma_start3A_126] : memref<10240x128xf32, #tpu.memory_space<vmem_shared>> -> memref<40x128xf32, #tpu.memory_space<vmem_shared>>
      tpu.enqueue_dma source(%arg7 : memref<40x128xf32, #tpu.memory_space<vmem>>) target(%dma_start3A_127 : memref<40x128xf32, #tpu.memory_space<vmem_shared>>) target_semaphore(%run_scoped3A_123 : memref<!tpu.dma_semaphore, #tpu.memory_space<semaphore_mem>>)
      %dma_wait3A_128 = arith.constant 0 : i32
      %dma_wait3A_129 = tpu.memref_slice %arg10[%add3A_34, %dma_wait3A_128] : memref<10240x128xf32, #tpu.memory_space<vmem_shared>> -> memref<40x128xf32, #tpu.memory_space<vmem_shared>>
      %dma_wait3A_130 = arith.constant 0 : i32
      %dma_wait3A_131 = tpu.memref_slice %arg10[%add3A_34, %dma_wait3A_130] : memref<10240x128xf32, #tpu.memory_space<vmem_shared>> -> memref<40x128xf32, #tpu.memory_space<vmem_shared>>
      tpu.wait_dma2 semaphore(%run_scoped3A_123 : memref<!tpu.dma_semaphore, #tpu.memory_space<semaphore_mem>>) src(%arg7 : memref<40x128xf32, #tpu.memory_space<vmem>>) dst(%dma_wait3A_131 : memref<40x128xf32, #tpu.memory_space<vmem_shared>>)
      tpu.yield
    }) : () -> ()
    %add3A_35 = arith.constant 200 : i32
    %add3A_36 = arith.addi %mul3A_24, %add3A_35 : i32
    "tpu.region"() ({
      %run_scoped3A_123 = tpu.sem_alloc : memref<!tpu.dma_semaphore, #tpu.memory_space<semaphore_mem>>
      %dma_start3A_124 = arith.constant 0 : i32
      %dma_start3A_125 = tpu.memref_slice %arg10[%add3A_36, %dma_start3A_124] : memref<10240x128xf32, #tpu.memory_space<vmem_shared>> -> memref<40x128xf32, #tpu.memory_space<vmem_shared>>
      %dma_start3A_126 = arith.constant 0 : i32
      %dma_start3A_127 = tpu.memref_slice %arg10[%add3A_36, %dma_start3A_126] : memref<10240x128xf32, #tpu.memory_space<vmem_shared>> -> memref<40x128xf32, #tpu.memory_space<vmem_shared>>
      tpu.enqueue_dma source(%arg7 : memref<40x128xf32, #tpu.memory_space<vmem>>) target(%dma_start3A_127 : memref<40x128xf32, #tpu.memory_space<vmem_shared>>) target_semaphore(%run_scoped3A_123 : memref<!tpu.dma_semaphore, #tpu.memory_space<semaphore_mem>>)
      %dma_wait3A_128 = arith.constant 0 : i32
      %dma_wait3A_129 = tpu.memref_slice %arg10[%add3A_36, %dma_wait3A_128] : memref<10240x128xf32, #tpu.memory_space<vmem_shared>> -> memref<40x128xf32, #tpu.memory_space<vmem_shared>>
      %dma_wait3A_130 = arith.constant 0 : i32
      %dma_wait3A_131 = tpu.memref_slice %arg10[%add3A_36, %dma_wait3A_130] : memref<10240x128xf32, #tpu.memory_space<vmem_shared>> -> memref<40x128xf32, #tpu.memory_space<vmem_shared>>
      tpu.wait_dma2 semaphore(%run_scoped3A_123 : memref<!tpu.dma_semaphore, #tpu.memory_space<semaphore_mem>>) src(%arg7 : memref<40x128xf32, #tpu.memory_space<vmem>>) dst(%dma_wait3A_131 : memref<40x128xf32, #tpu.memory_space<vmem_shared>>)
      tpu.yield
    }) : () -> ()
    %add3A_37 = arith.constant 240 : i32
    %add3A_38 = arith.addi %mul3A_24, %add3A_37 : i32
    "tpu.region"() ({
      %run_scoped3A_123 = tpu.sem_alloc : memref<!tpu.dma_semaphore, #tpu.memory_space<semaphore_mem>>
      %dma_start3A_124 = arith.constant 0 : i32
      %dma_start3A_125 = tpu.memref_slice %arg10[%add3A_38, %dma_start3A_124] : memref<10240x128xf32, #tpu.memory_space<vmem_shared>> -> memref<40x128xf32, #tpu.memory_space<vmem_shared>>
      %dma_start3A_126 = arith.constant 0 : i32
      %dma_start3A_127 = tpu.memref_slice %arg10[%add3A_38, %dma_start3A_126] : memref<10240x128xf32, #tpu.memory_space<vmem_shared>> -> memref<40x128xf32, #tpu.memory_space<vmem_shared>>
      tpu.enqueue_dma source(%arg7 : memref<40x128xf32, #tpu.memory_space<vmem>>) target(%dma_start3A_127 : memref<40x128xf32, #tpu.memory_space<vmem_shared>>) target_semaphore(%run_scoped3A_123 : memref<!tpu.dma_semaphore, #tpu.memory_space<semaphore_mem>>)
      %dma_wait3A_128 = arith.constant 0 : i32
      %dma_wait3A_129 = tpu.memref_slice %arg10[%add3A_38, %dma_wait3A_128] : memref<10240x128xf32, #tpu.memory_space<vmem_shared>> -> memref<40x128xf32, #tpu.memory_space<vmem_shared>>
      %dma_wait3A_130 = arith.constant 0 : i32
      %dma_wait3A_131 = tpu.memref_slice %arg10[%add3A_38, %dma_wait3A_130] : memref<10240x128xf32, #tpu.memory_space<vmem_shared>> -> memref<40x128xf32, #tpu.memory_space<vmem_shared>>
      tpu.wait_dma2 semaphore(%run_scoped3A_123 : memref<!tpu.dma_semaphore, #tpu.memory_space<semaphore_mem>>) src(%arg7 : memref<40x128xf32, #tpu.memory_space<vmem>>) dst(%dma_wait3A_131 : memref<40x128xf32, #tpu.memory_space<vmem_shared>>)
      tpu.yield
    }) : () -> ()
    %add3A_39 = arith.constant 280 : i32
    %add3A_40 = arith.addi %mul3A_24, %add3A_39 : i32
    "tpu.region"() ({
      %run_scoped3A_123 = tpu.sem_alloc : memref<!tpu.dma_semaphore, #tpu.memory_space<semaphore_mem>>
      %dma_start3A_124 = arith.constant 0 : i32
      %dma_start3A_125 = tpu.memref_slice %arg10[%add3A_40, %dma_start3A_124] : memref<10240x128xf32, #tpu.memory_space<vmem_shared>> -> memref<40x128xf32, #tpu.memory_space<vmem_shared>>
      %dma_start3A_126 = arith.constant 0 : i32
      %dma_start3A_127 = tpu.memref_slice %arg10[%add3A_40, %dma_start3A_126] : memref<10240x128xf32, #tpu.memory_space<vmem_shared>> -> memref<40x128xf32, #tpu.memory_space<vmem_shared>>
      tpu.enqueue_dma source(%arg7 : memref<40x128xf32, #tpu.memory_space<vmem>>) target(%dma_start3A_127 : memref<40x128xf32, #tpu.memory_space<vmem_shared>>) target_semaphore(%run_scoped3A_123 : memref<!tpu.dma_semaphore, #tpu.memory_space<semaphore_mem>>)
      %dma_wait3A_128 = arith.constant 0 : i32
      %dma_wait3A_129 = tpu.memref_slice %arg10[%add3A_40, %dma_wait3A_128] : memref<10240x128xf32, #tpu.memory_space<vmem_shared>> -> memref<40x128xf32, #tpu.memory_space<vmem_shared>>
      %dma_wait3A_130 = arith.constant 0 : i32
      %dma_wait3A_131 = tpu.memref_slice %arg10[%add3A_40, %dma_wait3A_130] : memref<10240x128xf32, #tpu.memory_space<vmem_shared>> -> memref<40x128xf32, #tpu.memory_space<vmem_shared>>
      tpu.wait_dma2 semaphore(%run_scoped3A_123 : memref<!tpu.dma_semaphore, #tpu.memory_space<semaphore_mem>>) src(%arg7 : memref<40x128xf32, #tpu.memory_space<vmem>>) dst(%dma_wait3A_131 : memref<40x128xf32, #tpu.memory_space<vmem_shared>>)
      tpu.yield
    }) : () -> ()
    %add3A_41 = arith.constant 320 : i32
    %add3A_42 = arith.addi %mul3A_24, %add3A_41 : i32
    "tpu.region"() ({
      %run_scoped3A_123 = tpu.sem_alloc : memref<!tpu.dma_semaphore, #tpu.memory_space<semaphore_mem>>
      %dma_start3A_124 = arith.constant 0 : i32
      %dma_start3A_125 = tpu.memref_slice %arg10[%add3A_42, %dma_start3A_124] : memref<10240x128xf32, #tpu.memory_space<vmem_shared>> -> memref<40x128xf32, #tpu.memory_space<vmem_shared>>
      %dma_start3A_126 = arith.constant 0 : i32
      %dma_start3A_127 = tpu.memref_slice %arg10[%add3A_42, %dma_start3A_126] : memref<10240x128xf32, #tpu.memory_space<vmem_shared>> -> memref<40x128xf32, #tpu.memory_space<vmem_shared>>
      tpu.enqueue_dma source(%arg7 : memref<40x128xf32, #tpu.memory_space<vmem>>) target(%dma_start3A_127 : memref<40x128xf32, #tpu.memory_space<vmem_shared>>) target_semaphore(%run_scoped3A_123 : memref<!tpu.dma_semaphore, #tpu.memory_space<semaphore_mem>>)
      %dma_wait3A_128 = arith.constant 0 : i32
      %dma_wait3A_129 = tpu.memref_slice %arg10[%add3A_42, %dma_wait3A_128] : memref<10240x128xf32, #tpu.memory_space<vmem_shared>> -> memref<40x128xf32, #tpu.memory_space<vmem_shared>>
      %dma_wait3A_130 = arith.constant 0 : i32
      %dma_wait3A_131 = tpu.memref_slice %arg10[%add3A_42, %dma_wait3A_130] : memref<10240x128xf32, #tpu.memory_space<vmem_shared>> -> memref<40x128xf32, #tpu.memory_space<vmem_shared>>
      tpu.wait_dma2 semaphore(%run_scoped3A_123 : memref<!tpu.dma_semaphore, #tpu.memory_space<semaphore_mem>>) src(%arg7 : memref<40x128xf32, #tpu.memory_space<vmem>>) dst(%dma_wait3A_131 : memref<40x128xf32, #tpu.memory_space<vmem_shared>>)
      tpu.yield
    }) : () -> ()
    %add3A_43 = arith.constant 360 : i32
    %add3A_44 = arith.addi %mul3A_24, %add3A_43 : i32
    "tpu.region"() ({
      %run_scoped3A_123 = tpu.sem_alloc : memref<!tpu.dma_semaphore, #tpu.memory_space<semaphore_mem>>
      %dma_start3A_124 = arith.constant 0 : i32
      %dma_start3A_125 = tpu.memref_slice %arg10[%add3A_44, %dma_start3A_124] : memref<10240x128xf32, #tpu.memory_space<vmem_shared>> -> memref<40x128xf32, #tpu.memory_space<vmem_shared>>
      %dma_start3A_126 = arith.constant 0 : i32
      %dma_start3A_127 = tpu.memref_slice %arg10[%add3A_44, %dma_start3A_126] : memref<10240x128xf32, #tpu.memory_space<vmem_shared>> -> memref<40x128xf32, #tpu.memory_space<vmem_shared>>
      tpu.enqueue_dma source(%arg7 : memref<40x128xf32, #tpu.memory_space<vmem>>) target(%dma_start3A_127 : memref<40x128xf32, #tpu.memory_space<vmem_shared>>) target_semaphore(%run_scoped3A_123 : memref<!tpu.dma_semaphore, #tpu.memory_space<semaphore_mem>>)
      %dma_wait3A_128 = arith.constant 0 : i32
      %dma_wait3A_129 = tpu.memref_slice %arg10[%add3A_44, %dma_wait3A_128] : memref<10240x128xf32, #tpu.memory_space<vmem_shared>> -> memref<40x128xf32, #tpu.memory_space<vmem_shared>>
      %dma_wait3A_130 = arith.constant 0 : i32
      %dma_wait3A_131 = tpu.memref_slice %arg10[%add3A_44, %dma_wait3A_130] : memref<10240x128xf32, #tpu.memory_space<vmem_shared>> -> memref<40x128xf32, #tpu.memory_space<vmem_shared>>
      tpu.wait_dma2 semaphore(%run_scoped3A_123 : memref<!tpu.dma_semaphore, #tpu.memory_space<semaphore_mem>>) src(%arg7 : memref<40x128xf32, #tpu.memory_space<vmem>>) dst(%dma_wait3A_131 : memref<40x128xf32, #tpu.memory_space<vmem_shared>>)
      tpu.yield
    }) : () -> ()
    %add3A_45 = arith.constant 400 : i32
    %add3A_46 = arith.addi %mul3A_24, %add3A_45 : i32
    "tpu.region"() ({
      %run_scoped3A_123 = tpu.sem_alloc : memref<!tpu.dma_semaphore, #tpu.memory_space<semaphore_mem>>
      %dma_start3A_124 = arith.constant 0 : i32
      %dma_start3A_125 = tpu.memref_slice %arg10[%add3A_46, %dma_start3A_124] : memref<10240x128xf32, #tpu.memory_space<vmem_shared>> -> memref<40x128xf32, #tpu.memory_space<vmem_shared>>
      %dma_start3A_126 = arith.constant 0 : i32
      %dma_start3A_127 = tpu.memref_slice %arg10[%add3A_46, %dma_start3A_126] : memref<10240x128xf32, #tpu.memory_space<vmem_shared>> -> memref<40x128xf32, #tpu.memory_space<vmem_shared>>
      tpu.enqueue_dma source(%arg7 : memref<40x128xf32, #tpu.memory_space<vmem>>) target(%dma_start3A_127 : memref<40x128xf32, #tpu.memory_space<vmem_shared>>) target_semaphore(%run_scoped3A_123 : memref<!tpu.dma_semaphore, #tpu.memory_space<semaphore_mem>>)
      %dma_wait3A_128 = arith.constant 0 : i32
      %dma_wait3A_129 = tpu.memref_slice %arg10[%add3A_46, %dma_wait3A_128] : memref<10240x128xf32, #tpu.memory_space<vmem_shared>> -> memref<40x128xf32, #tpu.memory_space<vmem_shared>>
      %dma_wait3A_130 = arith.constant 0 : i32
      %dma_wait3A_131 = tpu.memref_slice %arg10[%add3A_46, %dma_wait3A_130] : memref<10240x128xf32, #tpu.memory_space<vmem_shared>> -> memref<40x128xf32, #tpu.memory_space<vmem_shared>>
      tpu.wait_dma2 semaphore(%run_scoped3A_123 : memref<!tpu.dma_semaphore, #tpu.memory_space<semaphore_mem>>) src(%arg7 : memref<40x128xf32, #tpu.memory_space<vmem>>) dst(%dma_wait3A_131 : memref<40x128xf32, #tpu.memory_space<vmem_shared>>)
      tpu.yield
    }) : () -> ()
    %add3A_47 = arith.constant 440 : i32
    %add3A_48 = arith.addi %mul3A_24, %add3A_47 : i32
    "tpu.region"() ({
      %run_scoped3A_123 = tpu.sem_alloc : memref<!tpu.dma_semaphore, #tpu.memory_space<semaphore_mem>>
      %dma_start3A_124 = arith.constant 0 : i32
      %dma_start3A_125 = tpu.memref_slice %arg10[%add3A_48, %dma_start3A_124] : memref<10240x128xf32, #tpu.memory_space<vmem_shared>> -> memref<40x128xf32, #tpu.memory_space<vmem_shared>>
      %dma_start3A_126 = arith.constant 0 : i32
      %dma_start3A_127 = tpu.memref_slice %arg10[%add3A_48, %dma_start3A_126] : memref<10240x128xf32, #tpu.memory_space<vmem_shared>> -> memref<40x128xf32, #tpu.memory_space<vmem_shared>>
      tpu.enqueue_dma source(%arg7 : memref<40x128xf32, #tpu.memory_space<vmem>>) target(%dma_start3A_127 : memref<40x128xf32, #tpu.memory_space<vmem_shared>>) target_semaphore(%run_scoped3A_123 : memref<!tpu.dma_semaphore, #tpu.memory_space<semaphore_mem>>)
      %dma_wait3A_128 = arith.constant 0 : i32
      %dma_wait3A_129 = tpu.memref_slice %arg10[%add3A_48, %dma_wait3A_128] : memref<10240x128xf32, #tpu.memory_space<vmem_shared>> -> memref<40x128xf32, #tpu.memory_space<vmem_shared>>
      %dma_wait3A_130 = arith.constant 0 : i32
      %dma_wait3A_131 = tpu.memref_slice %arg10[%add3A_48, %dma_wait3A_130] : memref<10240x128xf32, #tpu.memory_space<vmem_shared>> -> memref<40x128xf32, #tpu.memory_space<vmem_shared>>
      tpu.wait_dma2 semaphore(%run_scoped3A_123 : memref<!tpu.dma_semaphore, #tpu.memory_space<semaphore_mem>>) src(%arg7 : memref<40x128xf32, #tpu.memory_space<vmem>>) dst(%dma_wait3A_131 : memref<40x128xf32, #tpu.memory_space<vmem_shared>>)
      tpu.yield
    }) : () -> ()
    %add3A_49 = arith.constant 480 : i32
    %add3A_50 = arith.addi %mul3A_24, %add3A_49 : i32
    "tpu.region"() ({
      %run_scoped3A_123 = tpu.sem_alloc : memref<!tpu.dma_semaphore, #tpu.memory_space<semaphore_mem>>
      %dma_start3A_124 = arith.constant 0 : i32
      %dma_start3A_125 = tpu.memref_slice %arg10[%add3A_50, %dma_start3A_124] : memref<10240x128xf32, #tpu.memory_space<vmem_shared>> -> memref<40x128xf32, #tpu.memory_space<vmem_shared>>
      %dma_start3A_126 = arith.constant 0 : i32
      %dma_start3A_127 = tpu.memref_slice %arg10[%add3A_50, %dma_start3A_126] : memref<10240x128xf32, #tpu.memory_space<vmem_shared>> -> memref<40x128xf32, #tpu.memory_space<vmem_shared>>
      tpu.enqueue_dma source(%arg7 : memref<40x128xf32, #tpu.memory_space<vmem>>) target(%dma_start3A_127 : memref<40x128xf32, #tpu.memory_space<vmem_shared>>) target_semaphore(%run_scoped3A_123 : memref<!tpu.dma_semaphore, #tpu.memory_space<semaphore_mem>>)
      %dma_wait3A_128 = arith.constant 0 : i32
      %dma_wait3A_129 = tpu.memref_slice %arg10[%add3A_50, %dma_wait3A_128] : memref<10240x128xf32, #tpu.memory_space<vmem_shared>> -> memref<40x128xf32, #tpu.memory_space<vmem_shared>>
      %dma_wait3A_130 = arith.constant 0 : i32
      %dma_wait3A_131 = tpu.memref_slice %arg10[%add3A_50, %dma_wait3A_130] : memref<10240x128xf32, #tpu.memory_space<vmem_shared>> -> memref<40x128xf32, #tpu.memory_space<vmem_shared>>
      tpu.wait_dma2 semaphore(%run_scoped3A_123 : memref<!tpu.dma_semaphore, #tpu.memory_space<semaphore_mem>>) src(%arg7 : memref<40x128xf32, #tpu.memory_space<vmem>>) dst(%dma_wait3A_131 : memref<40x128xf32, #tpu.memory_space<vmem_shared>>)
      tpu.yield
    }) : () -> ()
    %add3A_51 = arith.constant 520 : i32
    %add3A_52 = arith.addi %mul3A_24, %add3A_51 : i32
    "tpu.region"() ({
      %run_scoped3A_123 = tpu.sem_alloc : memref<!tpu.dma_semaphore, #tpu.memory_space<semaphore_mem>>
      %dma_start3A_124 = arith.constant 0 : i32
      %dma_start3A_125 = tpu.memref_slice %arg10[%add3A_52, %dma_start3A_124] : memref<10240x128xf32, #tpu.memory_space<vmem_shared>> -> memref<40x128xf32, #tpu.memory_space<vmem_shared>>
      %dma_start3A_126 = arith.constant 0 : i32
      %dma_start3A_127 = tpu.memref_slice %arg10[%add3A_52, %dma_start3A_126] : memref<10240x128xf32, #tpu.memory_space<vmem_shared>> -> memref<40x128xf32, #tpu.memory_space<vmem_shared>>
      tpu.enqueue_dma source(%arg7 : memref<40x128xf32, #tpu.memory_space<vmem>>) target(%dma_start3A_127 : memref<40x128xf32, #tpu.memory_space<vmem_shared>>) target_semaphore(%run_scoped3A_123 : memref<!tpu.dma_semaphore, #tpu.memory_space<semaphore_mem>>)
      %dma_wait3A_128 = arith.constant 0 : i32
      %dma_wait3A_129 = tpu.memref_slice %arg10[%add3A_52, %dma_wait3A_128] : memref<10240x128xf32, #tpu.memory_space<vmem_shared>> -> memref<40x128xf32, #tpu.memory_space<vmem_shared>>
      %dma_wait3A_130 = arith.constant 0 : i32
      %dma_wait3A_131 = tpu.memref_slice %arg10[%add3A_52, %dma_wait3A_130] : memref<10240x128xf32, #tpu.memory_space<vmem_shared>> -> memref<40x128xf32, #tpu.memory_space<vmem_shared>>
      tpu.wait_dma2 semaphore(%run_scoped3A_123 : memref<!tpu.dma_semaphore, #tpu.memory_space<semaphore_mem>>) src(%arg7 : memref<40x128xf32, #tpu.memory_space<vmem>>) dst(%dma_wait3A_131 : memref<40x128xf32, #tpu.memory_space<vmem_shared>>)
      tpu.yield
    }) : () -> ()
    %add3A_53 = arith.constant 560 : i32
    %add3A_54 = arith.addi %mul3A_24, %add3A_53 : i32
    "tpu.region"() ({
      %run_scoped3A_123 = tpu.sem_alloc : memref<!tpu.dma_semaphore, #tpu.memory_space<semaphore_mem>>
      %dma_start3A_124 = arith.constant 0 : i32
      %dma_start3A_125 = tpu.memref_slice %arg10[%add3A_54, %dma_start3A_124] : memref<10240x128xf32, #tpu.memory_space<vmem_shared>> -> memref<40x128xf32, #tpu.memory_space<vmem_shared>>
      %dma_start3A_126 = arith.constant 0 : i32
      %dma_start3A_127 = tpu.memref_slice %arg10[%add3A_54, %dma_start3A_126] : memref<10240x128xf32, #tpu.memory_space<vmem_shared>> -> memref<40x128xf32, #tpu.memory_space<vmem_shared>>
      tpu.enqueue_dma source(%arg7 : memref<40x128xf32, #tpu.memory_space<vmem>>) target(%dma_start3A_127 : memref<40x128xf32, #tpu.memory_space<vmem_shared>>) target_semaphore(%run_scoped3A_123 : memref<!tpu.dma_semaphore, #tpu.memory_space<semaphore_mem>>)
      %dma_wait3A_128 = arith.constant 0 : i32
      %dma_wait3A_129 = tpu.memref_slice %arg10[%add3A_54, %dma_wait3A_128] : memref<10240x128xf32, #tpu.memory_space<vmem_shared>> -> memref<40x128xf32, #tpu.memory_space<vmem_shared>>
      %dma_wait3A_130 = arith.constant 0 : i32
      %dma_wait3A_131 = tpu.memref_slice %arg10[%add3A_54, %dma_wait3A_130] : memref<10240x128xf32, #tpu.memory_space<vmem_shared>> -> memref<40x128xf32, #tpu.memory_space<vmem_shared>>
      tpu.wait_dma2 semaphore(%run_scoped3A_123 : memref<!tpu.dma_semaphore, #tpu.memory_space<semaphore_mem>>) src(%arg7 : memref<40x128xf32, #tpu.memory_space<vmem>>) dst(%dma_wait3A_131 : memref<40x128xf32, #tpu.memory_space<vmem_shared>>)
      tpu.yield
    }) : () -> ()
    %add3A_55 = arith.constant 600 : i32
    %add3A_56 = arith.addi %mul3A_24, %add3A_55 : i32
    "tpu.region"() ({
      %run_scoped3A_123 = tpu.sem_alloc : memref<!tpu.dma_semaphore, #tpu.memory_space<semaphore_mem>>
      %dma_start3A_124 = arith.constant 0 : i32
      %dma_start3A_125 = tpu.memref_slice %arg10[%add3A_56, %dma_start3A_124] : memref<10240x128xf32, #tpu.memory_space<vmem_shared>> -> memref<40x128xf32, #tpu.memory_space<vmem_shared>>
      %dma_start3A_126 = arith.constant 0 : i32
      %dma_start3A_127 = tpu.memref_slice %arg10[%add3A_56, %dma_start3A_126] : memref<10240x128xf32, #tpu.memory_space<vmem_shared>> -> memref<40x128xf32, #tpu.memory_space<vmem_shared>>
      tpu.enqueue_dma source(%arg7 : memref<40x128xf32, #tpu.memory_space<vmem>>) target(%dma_start3A_127 : memref<40x128xf32, #tpu.memory_space<vmem_shared>>) target_semaphore(%run_scoped3A_123 : memref<!tpu.dma_semaphore, #tpu.memory_space<semaphore_mem>>)
      %dma_wait3A_128 = arith.constant 0 : i32
      %dma_wait3A_129 = tpu.memref_slice %arg10[%add3A_56, %dma_wait3A_128] : memref<10240x128xf32, #tpu.memory_space<vmem_shared>> -> memref<40x128xf32, #tpu.memory_space<vmem_shared>>
      %dma_wait3A_130 = arith.constant 0 : i32
      %dma_wait3A_131 = tpu.memref_slice %arg10[%add3A_56, %dma_wait3A_130] : memref<10240x128xf32, #tpu.memory_space<vmem_shared>> -> memref<40x128xf32, #tpu.memory_space<vmem_shared>>
      tpu.wait_dma2 semaphore(%run_scoped3A_123 : memref<!tpu.dma_semaphore, #tpu.memory_space<semaphore_mem>>) src(%arg7 : memref<40x128xf32, #tpu.memory_space<vmem>>) dst(%dma_wait3A_131 : memref<40x128xf32, #tpu.memory_space<vmem_shared>>)
      tpu.yield
    }) : () -> ()
    %barrier3A = arith.constant 0 : index
    tpu.barrier barrier_id(%barrier3A)
    %scan3A_57 = arith.constant 0 : i32
    %scan3A_58 = arith.constant 0 : i32
    %scan3A_59 = arith.constant 19 : i32
    %scan3A_60 = arith.addi %scan3A_58, %scan3A_59 : i32
    %scan3A_61 = arith.constant 1 : i32
    %scan3A_62 = scf.for %scan3A_123 = %scan3A_58 to %scan3A_60 step %scan3A_61 iter_args(%scan3A_124 = %scan3A_57) -> (i32)  : i32 {
      %mul3A_125 = arith.constant 2 : i32
      %mul3A_126 = arith.muli %scan3A_123, %mul3A_125 : i32
      %dma_wait3A_127 = arith.constant 0 : i32
      %dma_wait3A_128 = arith.constant 0 : i32
      %dma_wait3A_129 = tpu.memref_slice %arg5[%dma_wait3A_127, %dma_wait3A_128] : memref<40x125xi32, #tpu.memory_space<vmem>> -> memref<1x125xi32, #tpu.memory_space<vmem>>
      %dma_wait3A_130 = tpu.memref_squeeze %dma_wait3A_129 : memref<1x125xi32, #tpu.memory_space<vmem>> -> memref<125xi32, #tpu.memory_space<vmem>>
      %dma_wait3A_131 = arith.constant 0 : i32
      %dma_wait3A_132 = arith.constant 0 : i32
      %dma_wait3A_133 = tpu.memref_slice %arg2[%dma_wait3A_131, %dma_wait3A_132] : memref<10000x128xf32, #tpu.memory_space<hbm>> -> memref<10000x128xf32, #tpu.memory_space<hbm>>
      tpu.wait_indirect_dma semaphore(%arg11 : memref<!tpu.dma_semaphore, #tpu.memory_space<semaphore_mem>>) src(%dma_wait3A_133 : memref<10000x128xf32, #tpu.memory_space<hbm>>) dst(%arg8 : memref<125x128xf32, #tpu.memory_space<vmem>>)
      "tpu.region"() ({
        %run_scoped3A_162 = tpu.sem_alloc : memref<!tpu.dma_semaphore, #tpu.memory_space<semaphore_mem>>
        %dma_start3A_163 = arith.constant 0 : i32
        %dma_start3A_164 = tpu.memref_slice %arg6[%mul3A_126, %dma_start3A_163] : memref<40x125xi32, #tpu.memory_space<vmem>> -> memref<1x125xi32, #tpu.memory_space<vmem>>
        %dma_start3A_165 = tpu.memref_squeeze %dma_start3A_164 : memref<1x125xi32, #tpu.memory_space<vmem>> -> memref<125xi32, #tpu.memory_space<vmem>>
        %dma_start3A_166 = arith.constant 0 : i32
        %dma_start3A_167 = arith.constant 0 : i32
        %dma_start3A_168 = tpu.memref_slice %arg10[%dma_start3A_166, %dma_start3A_167] : memref<10240x128xf32, #tpu.memory_space<vmem_shared>> -> memref<10240x128xf32, #tpu.memory_space<vmem_shared>>
        tpu.enqueue_indirect_dma source(%arg8 : memref<125x128xf32, #tpu.memory_space<vmem>>) target(%dma_start3A_168 : memref<10240x128xf32, #tpu.memory_space<vmem_shared>>) offsets(%dma_start3A_165 : memref<125xi32, #tpu.memory_space<vmem>>) semaphore(%run_scoped3A_162 : memref<!tpu.dma_semaphore, #tpu.memory_space<semaphore_mem>>) {add = true}
        %dma_wait3A_169 = arith.constant 0 : i32
        %dma_wait3A_170 = tpu.memref_slice %arg6[%mul3A_126, %dma_wait3A_169] : memref<40x125xi32, #tpu.memory_space<vmem>> -> memref<1x125xi32, #tpu.memory_space<vmem>>
        %dma_wait3A_171 = tpu.memref_squeeze %dma_wait3A_170 : memref<1x125xi32, #tpu.memory_space<vmem>> -> memref<125xi32, #tpu.memory_space<vmem>>
        %dma_wait3A_172 = arith.constant 0 : i32
        %dma_wait3A_173 = arith.constant 0 : i32
        %dma_wait3A_174 = tpu.memref_slice %arg10[%dma_wait3A_172, %dma_wait3A_173] : memref<10240x128xf32, #tpu.memory_space<vmem_shared>> -> memref<10240x128xf32, #tpu.memory_space<vmem_shared>>
        tpu.wait_indirect_dma semaphore(%run_scoped3A_162 : memref<!tpu.dma_semaphore, #tpu.memory_space<semaphore_mem>>) src(%arg8 : memref<125x128xf32, #tpu.memory_space<vmem>>) dst(%dma_wait3A_174 : memref<10240x128xf32, #tpu.memory_space<vmem_shared>>)
        tpu.yield
      }) : () -> ()
      %add3A_134 = arith.constant 2 : i32
      %add3A_135 = arith.addi %mul3A_126, %add3A_134 : i32
      %dma_start3A_136 = arith.constant 0 : i32
      %dma_start3A_137 = tpu.memref_slice %arg5[%add3A_135, %dma_start3A_136] : memref<40x125xi32, #tpu.memory_space<vmem>> -> memref<1x125xi32, #tpu.memory_space<vmem>>
      %dma_start3A_138 = tpu.memref_squeeze %dma_start3A_137 : memref<1x125xi32, #tpu.memory_space<vmem>> -> memref<125xi32, #tpu.memory_space<vmem>>
      %dma_start3A_139 = arith.constant 0 : i32
      %dma_start3A_140 = arith.constant 0 : i32
      %dma_start3A_141 = tpu.memref_slice %arg2[%dma_start3A_139, %dma_start3A_140] : memref<10000x128xf32, #tpu.memory_space<hbm>> -> memref<10000x128xf32, #tpu.memory_space<hbm>>
      tpu.enqueue_indirect_dma source(%dma_start3A_141 : memref<10000x128xf32, #tpu.memory_space<hbm>>) target(%arg8 : memref<125x128xf32, #tpu.memory_space<vmem>>) offsets(%dma_start3A_138 : memref<125xi32, #tpu.memory_space<vmem>>) semaphore(%arg11 : memref<!tpu.dma_semaphore, #tpu.memory_space<semaphore_mem>>)
      %dma_wait3A_142 = arith.constant 0 : i32
      %dma_wait3A_143 = arith.constant 0 : i32
      %dma_wait3A_144 = tpu.memref_slice %arg5[%dma_wait3A_142, %dma_wait3A_143] : memref<40x125xi32, #tpu.memory_space<vmem>> -> memref<1x125xi32, #tpu.memory_space<vmem>>
      %dma_wait3A_145 = tpu.memref_squeeze %dma_wait3A_144 : memref<1x125xi32, #tpu.memory_space<vmem>> -> memref<125xi32, #tpu.memory_space<vmem>>
      %dma_wait3A_146 = arith.constant 0 : i32
      %dma_wait3A_147 = arith.constant 0 : i32
      %dma_wait3A_148 = tpu.memref_slice %arg2[%dma_wait3A_146, %dma_wait3A_147] : memref<10000x128xf32, #tpu.memory_space<hbm>> -> memref<10000x128xf32, #tpu.memory_space<hbm>>
      tpu.wait_indirect_dma semaphore(%arg12 : memref<!tpu.dma_semaphore, #tpu.memory_space<semaphore_mem>>) src(%dma_wait3A_148 : memref<10000x128xf32, #tpu.memory_space<hbm>>) dst(%arg9 : memref<125x128xf32, #tpu.memory_space<vmem>>)
      %add3A_149 = arith.constant 1 : i32
      %add3A_150 = arith.addi %mul3A_126, %add3A_149 : i32
      "tpu.region"() ({
        %run_scoped3A_162 = tpu.sem_alloc : memref<!tpu.dma_semaphore, #tpu.memory_space<semaphore_mem>>
        %dma_start3A_163 = arith.constant 0 : i32
        %dma_start3A_164 = tpu.memref_slice %arg6[%add3A_150, %dma_start3A_163] : memref<40x125xi32, #tpu.memory_space<vmem>> -> memref<1x125xi32, #tpu.memory_space<vmem>>
        %dma_start3A_165 = tpu.memref_squeeze %dma_start3A_164 : memref<1x125xi32, #tpu.memory_space<vmem>> -> memref<125xi32, #tpu.memory_space<vmem>>
        %dma_start3A_166 = arith.constant 0 : i32
        %dma_start3A_167 = arith.constant 0 : i32
        %dma_start3A_168 = tpu.memref_slice %arg10[%dma_start3A_166, %dma_start3A_167] : memref<10240x128xf32, #tpu.memory_space<vmem_shared>> -> memref<10240x128xf32, #tpu.memory_space<vmem_shared>>
        tpu.enqueue_indirect_dma source(%arg9 : memref<125x128xf32, #tpu.memory_space<vmem>>) target(%dma_start3A_168 : memref<10240x128xf32, #tpu.memory_space<vmem_shared>>) offsets(%dma_start3A_165 : memref<125xi32, #tpu.memory_space<vmem>>) semaphore(%run_scoped3A_162 : memref<!tpu.dma_semaphore, #tpu.memory_space<semaphore_mem>>) {add = true}
        %dma_wait3A_169 = arith.constant 0 : i32
        %dma_wait3A_170 = tpu.memref_slice %arg6[%add3A_150, %dma_wait3A_169] : memref<40x125xi32, #tpu.memory_space<vmem>> -> memref<1x125xi32, #tpu.memory_space<vmem>>
        %dma_wait3A_171 = tpu.memref_squeeze %dma_wait3A_170 : memref<1x125xi32, #tpu.memory_space<vmem>> -> memref<125xi32, #tpu.memory_space<vmem>>
        %dma_wait3A_172 = arith.constant 0 : i32
        %dma_wait3A_173 = arith.constant 0 : i32
        %dma_wait3A_174 = tpu.memref_slice %arg10[%dma_wait3A_172, %dma_wait3A_173] : memref<10240x128xf32, #tpu.memory_space<vmem_shared>> -> memref<10240x128xf32, #tpu.memory_space<vmem_shared>>
        tpu.wait_indirect_dma semaphore(%run_scoped3A_162 : memref<!tpu.dma_semaphore, #tpu.memory_space<semaphore_mem>>) src(%arg9 : memref<125x128xf32, #tpu.memory_space<vmem>>) dst(%dma_wait3A_174 : memref<10240x128xf32, #tpu.memory_space<vmem_shared>>)
        tpu.yield
      }) : () -> ()
      %add3A_151 = arith.constant 2 : i32
      %add3A_152 = arith.addi %mul3A_126, %add3A_151 : i32
      %add3A_153 = arith.constant 1 : i32
      %add3A_154 = arith.addi %add3A_152, %add3A_153 : i32
      %dma_start3A_155 = arith.constant 0 : i32
      %dma_start3A_156 = tpu.memref_slice %arg5[%add3A_154, %dma_start3A_155] : memref<40x125xi32, #tpu.memory_space<vmem>> -> memref<1x125xi32, #tpu.memory_space<vmem>>
      %dma_start3A_157 = tpu.memref_squeeze %dma_start3A_156 : memref<1x125xi32, #tpu.memory_space<vmem>> -> memref<125xi32, #tpu.memory_space<vmem>>
      %dma_start3A_158 = arith.constant 0 : i32
      %dma_start3A_159 = arith.constant 0 : i32
      %dma_start3A_160 = tpu.memref_slice %arg2[%dma_start3A_158, %dma_start3A_159] : memref<10000x128xf32, #tpu.memory_space<hbm>> -> memref<10000x128xf32, #tpu.memory_space<hbm>>
      tpu.enqueue_indirect_dma source(%dma_start3A_160 : memref<10000x128xf32, #tpu.memory_space<hbm>>) target(%arg9 : memref<125x128xf32, #tpu.memory_space<vmem>>) offsets(%dma_start3A_157 : memref<125xi32, #tpu.memory_space<vmem>>) semaphore(%arg12 : memref<!tpu.dma_semaphore, #tpu.memory_space<semaphore_mem>>)
      %scan3A_161 = arith.constant 0 : i32
      scf.yield %scan3A_161 : i32
    }
    %scan3A_63 = arith.constant 19 : i32
    %dma_wait3A = arith.constant 0 : i32
    %dma_wait3A_64 = arith.constant 0 : i32
    %dma_wait3A_65 = tpu.memref_slice %arg5[%dma_wait3A, %dma_wait3A_64] : memref<40x125xi32, #tpu.memory_space<vmem>> -> memref<1x125xi32, #tpu.memory_space<vmem>>
    %dma_wait3A_66 = tpu.memref_squeeze %dma_wait3A_65 : memref<1x125xi32, #tpu.memory_space<vmem>> -> memref<125xi32, #tpu.memory_space<vmem>>
    %dma_wait3A_67 = arith.constant 0 : i32
    %dma_wait3A_68 = arith.constant 0 : i32
    %dma_wait3A_69 = tpu.memref_slice %arg2[%dma_wait3A_67, %dma_wait3A_68] : memref<10000x128xf32, #tpu.memory_space<hbm>> -> memref<10000x128xf32, #tpu.memory_space<hbm>>
    tpu.wait_indirect_dma semaphore(%arg11 : memref<!tpu.dma_semaphore, #tpu.memory_space<semaphore_mem>>) src(%dma_wait3A_69 : memref<10000x128xf32, #tpu.memory_space<hbm>>) dst(%arg8 : memref<125x128xf32, #tpu.memory_space<vmem>>)
    %run_scoped3A_70 = arith.constant 38 : i32
    "tpu.region"() ({
      %run_scoped3A_123 = tpu.sem_alloc : memref<!tpu.dma_semaphore, #tpu.memory_space<semaphore_mem>>
      %dma_start3A_124 = arith.constant 0 : i32
      %dma_start3A_125 = tpu.memref_slice %arg6[%run_scoped3A_70, %dma_start3A_124] : memref<40x125xi32, #tpu.memory_space<vmem>> -> memref<1x125xi32, #tpu.memory_space<vmem>>
      %dma_start3A_126 = tpu.memref_squeeze %dma_start3A_125 : memref<1x125xi32, #tpu.memory_space<vmem>> -> memref<125xi32, #tpu.memory_space<vmem>>
      %dma_start3A_127 = arith.constant 0 : i32
      %dma_start3A_128 = arith.constant 0 : i32
      %dma_start3A_129 = tpu.memref_slice %arg10[%dma_start3A_127, %dma_start3A_128] : memref<10240x128xf32, #tpu.memory_space<vmem_shared>> -> memref<10240x128xf32, #tpu.memory_space<vmem_shared>>
      tpu.enqueue_indirect_dma source(%arg8 : memref<125x128xf32, #tpu.memory_space<vmem>>) target(%dma_start3A_129 : memref<10240x128xf32, #tpu.memory_space<vmem_shared>>) offsets(%dma_start3A_126 : memref<125xi32, #tpu.memory_space<vmem>>) semaphore(%run_scoped3A_123 : memref<!tpu.dma_semaphore, #tpu.memory_space<semaphore_mem>>) {add = true}
      %dma_wait3A_130 = arith.constant 0 : i32
      %dma_wait3A_131 = tpu.memref_slice %arg6[%run_scoped3A_70, %dma_wait3A_130] : memref<40x125xi32, #tpu.memory_space<vmem>> -> memref<1x125xi32, #tpu.memory_space<vmem>>
      %dma_wait3A_132 = tpu.memref_squeeze %dma_wait3A_131 : memref<1x125xi32, #tpu.memory_space<vmem>> -> memref<125xi32, #tpu.memory_space<vmem>>
      %dma_wait3A_133 = arith.constant 0 : i32
      %dma_wait3A_134 = arith.constant 0 : i32
      %dma_wait3A_135 = tpu.memref_slice %arg10[%dma_wait3A_133, %dma_wait3A_134] : memref<10240x128xf32, #tpu.memory_space<vmem_shared>> -> memref<10240x128xf32, #tpu.memory_space<vmem_shared>>
      tpu.wait_indirect_dma semaphore(%run_scoped3A_123 : memref<!tpu.dma_semaphore, #tpu.memory_space<semaphore_mem>>) src(%arg8 : memref<125x128xf32, #tpu.memory_space<vmem>>) dst(%dma_wait3A_135 : memref<10240x128xf32, #tpu.memory_space<vmem_shared>>)
      tpu.yield
    }) : () -> ()
    %dma_wait3A_71 = arith.constant 0 : i32
    %dma_wait3A_72 = arith.constant 0 : i32
    %dma_wait3A_73 = tpu.memref_slice %arg5[%dma_wait3A_71, %dma_wait3A_72] : memref<40x125xi32, #tpu.memory_space<vmem>> -> memref<1x125xi32, #tpu.memory_space<vmem>>
    %dma_wait3A_74 = tpu.memref_squeeze %dma_wait3A_73 : memref<1x125xi32, #tpu.memory_space<vmem>> -> memref<125xi32, #tpu.memory_space<vmem>>
    %dma_wait3A_75 = arith.constant 0 : i32
    %dma_wait3A_76 = arith.constant 0 : i32
    %dma_wait3A_77 = tpu.memref_slice %arg2[%dma_wait3A_75, %dma_wait3A_76] : memref<10000x128xf32, #tpu.memory_space<hbm>> -> memref<10000x128xf32, #tpu.memory_space<hbm>>
    tpu.wait_indirect_dma semaphore(%arg12 : memref<!tpu.dma_semaphore, #tpu.memory_space<semaphore_mem>>) src(%dma_wait3A_77 : memref<10000x128xf32, #tpu.memory_space<hbm>>) dst(%arg9 : memref<125x128xf32, #tpu.memory_space<vmem>>)
    %run_scoped3A_78 = arith.constant 39 : i32
    "tpu.region"() ({
      %run_scoped3A_123 = tpu.sem_alloc : memref<!tpu.dma_semaphore, #tpu.memory_space<semaphore_mem>>
      %dma_start3A_124 = arith.constant 0 : i32
      %dma_start3A_125 = tpu.memref_slice %arg6[%run_scoped3A_78, %dma_start3A_124] : memref<40x125xi32, #tpu.memory_space<vmem>> -> memref<1x125xi32, #tpu.memory_space<vmem>>
      %dma_start3A_126 = tpu.memref_squeeze %dma_start3A_125 : memref<1x125xi32, #tpu.memory_space<vmem>> -> memref<125xi32, #tpu.memory_space<vmem>>
      %dma_start3A_127 = arith.constant 0 : i32
      %dma_start3A_128 = arith.constant 0 : i32
      %dma_start3A_129 = tpu.memref_slice %arg10[%dma_start3A_127, %dma_start3A_128] : memref<10240x128xf32, #tpu.memory_space<vmem_shared>> -> memref<10240x128xf32, #tpu.memory_space<vmem_shared>>
      tpu.enqueue_indirect_dma source(%arg9 : memref<125x128xf32, #tpu.memory_space<vmem>>) target(%dma_start3A_129 : memref<10240x128xf32, #tpu.memory_space<vmem_shared>>) offsets(%dma_start3A_126 : memref<125xi32, #tpu.memory_space<vmem>>) semaphore(%run_scoped3A_123 : memref<!tpu.dma_semaphore, #tpu.memory_space<semaphore_mem>>) {add = true}
      %dma_wait3A_130 = arith.constant 0 : i32
      %dma_wait3A_131 = tpu.memref_slice %arg6[%run_scoped3A_78, %dma_wait3A_130] : memref<40x125xi32, #tpu.memory_space<vmem>> -> memref<1x125xi32, #tpu.memory_space<vmem>>
      %dma_wait3A_132 = tpu.memref_squeeze %dma_wait3A_131 : memref<1x125xi32, #tpu.memory_space<vmem>> -> memref<125xi32, #tpu.memory_space<vmem>>
      %dma_wait3A_133 = arith.constant 0 : i32
      %dma_wait3A_134 = arith.constant 0 : i32
      %dma_wait3A_135 = tpu.memref_slice %arg10[%dma_wait3A_133, %dma_wait3A_134] : memref<10240x128xf32, #tpu.memory_space<vmem_shared>> -> memref<10240x128xf32, #tpu.memory_space<vmem_shared>>
      tpu.wait_indirect_dma semaphore(%run_scoped3A_123 : memref<!tpu.dma_semaphore, #tpu.memory_space<semaphore_mem>>) src(%arg9 : memref<125x128xf32, #tpu.memory_space<vmem>>) dst(%dma_wait3A_135 : memref<10240x128xf32, #tpu.memory_space<vmem_shared>>)
      tpu.yield
    }) : () -> ()
    %add3A_79 = arith.constant 32 : i32
    %add3A_80 = arith.addi %add3A_79, %add3A : i32
    %mul3A_81 = arith.constant 40 : i32
    %mul3A_82 = arith.muli %add3A_80, %mul3A_81 : i32
    %run_scoped3A_83 = arith.constant 0 : i32
    "tpu.region"() ({
      %run_scoped3A_123 = tpu.sem_alloc : memref<!tpu.dma_semaphore, #tpu.memory_space<semaphore_mem>>
      %dma_start3A_124 = arith.constant 0 : i32
      %dma_start3A_125 = tpu.memref_slice %arg3[%run_scoped3A_83, %mul3A_82, %dma_start3A_124] : memref<2x2560x125xi32, #tpu.memory_space<hbm>> -> memref<1x40x125xi32, #tpu.memory_space<hbm>>
      %dma_start3A_126 = tpu.memref_squeeze %dma_start3A_125 : memref<1x40x125xi32, #tpu.memory_space<hbm>> -> memref<40x125xi32, #tpu.memory_space<hbm>>
      %dma_start3A_127 = arith.constant 0 : i32
      %dma_start3A_128 = tpu.memref_slice %arg3[%run_scoped3A_83, %mul3A_82, %dma_start3A_127] : memref<2x2560x125xi32, #tpu.memory_space<hbm>> -> memref<1x40x125xi32, #tpu.memory_space<hbm>>
      %dma_start3A_129 = tpu.memref_squeeze %dma_start3A_128 : memref<1x40x125xi32, #tpu.memory_space<hbm>> -> memref<40x125xi32, #tpu.memory_space<hbm>>
      tpu.enqueue_dma source(%dma_start3A_129 : memref<40x125xi32, #tpu.memory_space<hbm>>) target(%arg5 : memref<40x125xi32, #tpu.memory_space<vmem>>) target_semaphore(%run_scoped3A_123 : memref<!tpu.dma_semaphore, #tpu.memory_space<semaphore_mem>>)
      %dma_wait3A_130 = arith.constant 0 : i32
      %dma_wait3A_131 = tpu.memref_slice %arg3[%run_scoped3A_83, %mul3A_82, %dma_wait3A_130] : memref<2x2560x125xi32, #tpu.memory_space<hbm>> -> memref<1x40x125xi32, #tpu.memory_space<hbm>>
      %dma_wait3A_132 = tpu.memref_squeeze %dma_wait3A_131 : memref<1x40x125xi32, #tpu.memory_space<hbm>> -> memref<40x125xi32, #tpu.memory_space<hbm>>
      %dma_wait3A_133 = arith.constant 0 : i32
      %dma_wait3A_134 = tpu.memref_slice %arg3[%run_scoped3A_83, %mul3A_82, %dma_wait3A_133] : memref<2x2560x125xi32, #tpu.memory_space<hbm>> -> memref<1x40x125xi32, #tpu.memory_space<hbm>>
      %dma_wait3A_135 = tpu.memref_squeeze %dma_wait3A_134 : memref<1x40x125xi32, #tpu.memory_space<hbm>> -> memref<40x125xi32, #tpu.memory_space<hbm>>
      tpu.wait_dma2 semaphore(%run_scoped3A_123 : memref<!tpu.dma_semaphore, #tpu.memory_space<semaphore_mem>>) src(%dma_wait3A_135 : memref<40x125xi32, #tpu.memory_space<hbm>>) dst(%arg5 : memref<40x125xi32, #tpu.memory_space<vmem>>)
      tpu.yield
    }) : () -> ()
    %run_scoped3A_84 = arith.constant 1 : i32
    "tpu.region"() ({
      %run_scoped3A_123 = tpu.sem_alloc : memref<!tpu.dma_semaphore, #tpu.memory_space<semaphore_mem>>
      %dma_start3A_124 = arith.constant 0 : i32
      %dma_start3A_125 = tpu.memref_slice %arg3[%run_scoped3A_84, %mul3A_82, %dma_start3A_124] : memref<2x2560x125xi32, #tpu.memory_space<hbm>> -> memref<1x40x125xi32, #tpu.memory_space<hbm>>
      %dma_start3A_126 = tpu.memref_squeeze %dma_start3A_125 : memref<1x40x125xi32, #tpu.memory_space<hbm>> -> memref<40x125xi32, #tpu.memory_space<hbm>>
      %dma_start3A_127 = arith.constant 0 : i32
      %dma_start3A_128 = tpu.memref_slice %arg3[%run_scoped3A_84, %mul3A_82, %dma_start3A_127] : memref<2x2560x125xi32, #tpu.memory_space<hbm>> -> memref<1x40x125xi32, #tpu.memory_space<hbm>>
      %dma_start3A_129 = tpu.memref_squeeze %dma_start3A_128 : memref<1x40x125xi32, #tpu.memory_space<hbm>> -> memref<40x125xi32, #tpu.memory_space<hbm>>
      tpu.enqueue_dma source(%dma_start3A_129 : memref<40x125xi32, #tpu.memory_space<hbm>>) target(%arg6 : memref<40x125xi32, #tpu.memory_space<vmem>>) target_semaphore(%run_scoped3A_123 : memref<!tpu.dma_semaphore, #tpu.memory_space<semaphore_mem>>)
      %dma_wait3A_130 = arith.constant 0 : i32
      %dma_wait3A_131 = tpu.memref_slice %arg3[%run_scoped3A_84, %mul3A_82, %dma_wait3A_130] : memref<2x2560x125xi32, #tpu.memory_space<hbm>> -> memref<1x40x125xi32, #tpu.memory_space<hbm>>
      %dma_wait3A_132 = tpu.memref_squeeze %dma_wait3A_131 : memref<1x40x125xi32, #tpu.memory_space<hbm>> -> memref<40x125xi32, #tpu.memory_space<hbm>>
      %dma_wait3A_133 = arith.constant 0 : i32
      %dma_wait3A_134 = tpu.memref_slice %arg3[%run_scoped3A_84, %mul3A_82, %dma_wait3A_133] : memref<2x2560x125xi32, #tpu.memory_space<hbm>> -> memref<1x40x125xi32, #tpu.memory_space<hbm>>
      %dma_wait3A_135 = tpu.memref_squeeze %dma_wait3A_134 : memref<1x40x125xi32, #tpu.memory_space<hbm>> -> memref<40x125xi32, #tpu.memory_space<hbm>>
      tpu.wait_dma2 semaphore(%run_scoped3A_123 : memref<!tpu.dma_semaphore, #tpu.memory_space<semaphore_mem>>) src(%dma_wait3A_135 : memref<40x125xi32, #tpu.memory_space<hbm>>) dst(%arg6 : memref<40x125xi32, #tpu.memory_space<vmem>>)
      tpu.yield
    }) : () -> ()
    %dma_start3A_85 = arith.constant 0 : i32
    %dma_start3A_86 = arith.constant 0 : i32
    %dma_start3A_87 = tpu.memref_slice %arg5[%dma_start3A_85, %dma_start3A_86] : memref<40x125xi32, #tpu.memory_space<vmem>> -> memref<1x125xi32, #tpu.memory_space<vmem>>
    %dma_start3A_88 = tpu.memref_squeeze %dma_start3A_87 : memref<1x125xi32, #tpu.memory_space<vmem>> -> memref<125xi32, #tpu.memory_space<vmem>>
    %dma_start3A_89 = arith.constant 0 : i32
    %dma_start3A_90 = arith.constant 0 : i32
    %dma_start3A_91 = tpu.memref_slice %arg2[%dma_start3A_89, %dma_start3A_90] : memref<10000x128xf32, #tpu.memory_space<hbm>> -> memref<10000x128xf32, #tpu.memory_space<hbm>>
    tpu.enqueue_indirect_dma source(%dma_start3A_91 : memref<10000x128xf32, #tpu.memory_space<hbm>>) target(%arg8 : memref<125x128xf32, #tpu.memory_space<vmem>>) offsets(%dma_start3A_88 : memref<125xi32, #tpu.memory_space<vmem>>) semaphore(%arg11 : memref<!tpu.dma_semaphore, #tpu.memory_space<semaphore_mem>>)
    %dma_start3A_92 = arith.constant 1 : i32
    %dma_start3A_93 = arith.constant 0 : i32
    %dma_start3A_94 = tpu.memref_slice %arg5[%dma_start3A_92, %dma_start3A_93] : memref<40x125xi32, #tpu.memory_space<vmem>> -> memref<1x125xi32, #tpu.memory_space<vmem>>
    %dma_start3A_95 = tpu.memref_squeeze %dma_start3A_94 : memref<1x125xi32, #tpu.memory_space<vmem>> -> memref<125xi32, #tpu.memory_space<vmem>>
    %dma_start3A_96 = arith.constant 0 : i32
    %dma_start3A_97 = arith.constant 0 : i32
    %dma_start3A_98 = tpu.memref_slice %arg2[%dma_start3A_96, %dma_start3A_97] : memref<10000x128xf32, #tpu.memory_space<hbm>> -> memref<10000x128xf32, #tpu.memory_space<hbm>>
    tpu.enqueue_indirect_dma source(%dma_start3A_98 : memref<10000x128xf32, #tpu.memory_space<hbm>>) target(%arg9 : memref<125x128xf32, #tpu.memory_space<vmem>>) offsets(%dma_start3A_95 : memref<125xi32, #tpu.memory_space<vmem>>) semaphore(%arg12 : memref<!tpu.dma_semaphore, #tpu.memory_space<semaphore_mem>>)
    %scan3A_99 = arith.constant 0 : i32
    %scan3A_100 = arith.constant 0 : i32
    %scan3A_101 = arith.constant 19 : i32
    %scan3A_102 = arith.addi %scan3A_100, %scan3A_101 : i32
    %scan3A_103 = arith.constant 1 : i32
    %scan3A_104 = scf.for %scan3A_123 = %scan3A_100 to %scan3A_102 step %scan3A_103 iter_args(%scan3A_124 = %scan3A_99) -> (i32)  : i32 {
      %mul3A_125 = arith.constant 2 : i32
      %mul3A_126 = arith.muli %scan3A_123, %mul3A_125 : i32
      %dma_wait3A_127 = arith.constant 0 : i32
      %dma_wait3A_128 = arith.constant 0 : i32
      %dma_wait3A_129 = tpu.memref_slice %arg5[%dma_wait3A_127, %dma_wait3A_128] : memref<40x125xi32, #tpu.memory_space<vmem>> -> memref<1x125xi32, #tpu.memory_space<vmem>>
      %dma_wait3A_130 = tpu.memref_squeeze %dma_wait3A_129 : memref<1x125xi32, #tpu.memory_space<vmem>> -> memref<125xi32, #tpu.memory_space<vmem>>
      %dma_wait3A_131 = arith.constant 0 : i32
      %dma_wait3A_132 = arith.constant 0 : i32
      %dma_wait3A_133 = tpu.memref_slice %arg2[%dma_wait3A_131, %dma_wait3A_132] : memref<10000x128xf32, #tpu.memory_space<hbm>> -> memref<10000x128xf32, #tpu.memory_space<hbm>>
      tpu.wait_indirect_dma semaphore(%arg11 : memref<!tpu.dma_semaphore, #tpu.memory_space<semaphore_mem>>) src(%dma_wait3A_133 : memref<10000x128xf32, #tpu.memory_space<hbm>>) dst(%arg8 : memref<125x128xf32, #tpu.memory_space<vmem>>)
      "tpu.region"() ({
        %run_scoped3A_162 = tpu.sem_alloc : memref<!tpu.dma_semaphore, #tpu.memory_space<semaphore_mem>>
        %dma_start3A_163 = arith.constant 0 : i32
        %dma_start3A_164 = tpu.memref_slice %arg6[%mul3A_126, %dma_start3A_163] : memref<40x125xi32, #tpu.memory_space<vmem>> -> memref<1x125xi32, #tpu.memory_space<vmem>>
        %dma_start3A_165 = tpu.memref_squeeze %dma_start3A_164 : memref<1x125xi32, #tpu.memory_space<vmem>> -> memref<125xi32, #tpu.memory_space<vmem>>
        %dma_start3A_166 = arith.constant 0 : i32
        %dma_start3A_167 = arith.constant 0 : i32
        %dma_start3A_168 = tpu.memref_slice %arg10[%dma_start3A_166, %dma_start3A_167] : memref<10240x128xf32, #tpu.memory_space<vmem_shared>> -> memref<10240x128xf32, #tpu.memory_space<vmem_shared>>
        tpu.enqueue_indirect_dma source(%arg8 : memref<125x128xf32, #tpu.memory_space<vmem>>) target(%dma_start3A_168 : memref<10240x128xf32, #tpu.memory_space<vmem_shared>>) offsets(%dma_start3A_165 : memref<125xi32, #tpu.memory_space<vmem>>) semaphore(%run_scoped3A_162 : memref<!tpu.dma_semaphore, #tpu.memory_space<semaphore_mem>>) {add = true}
        %dma_wait3A_169 = arith.constant 0 : i32
        %dma_wait3A_170 = tpu.memref_slice %arg6[%mul3A_126, %dma_wait3A_169] : memref<40x125xi32, #tpu.memory_space<vmem>> -> memref<1x125xi32, #tpu.memory_space<vmem>>
        %dma_wait3A_171 = tpu.memref_squeeze %dma_wait3A_170 : memref<1x125xi32, #tpu.memory_space<vmem>> -> memref<125xi32, #tpu.memory_space<vmem>>
        %dma_wait3A_172 = arith.constant 0 : i32
        %dma_wait3A_173 = arith.constant 0 : i32
        %dma_wait3A_174 = tpu.memref_slice %arg10[%dma_wait3A_172, %dma_wait3A_173] : memref<10240x128xf32, #tpu.memory_space<vmem_shared>> -> memref<10240x128xf32, #tpu.memory_space<vmem_shared>>
        tpu.wait_indirect_dma semaphore(%run_scoped3A_162 : memref<!tpu.dma_semaphore, #tpu.memory_space<semaphore_mem>>) src(%arg8 : memref<125x128xf32, #tpu.memory_space<vmem>>) dst(%dma_wait3A_174 : memref<10240x128xf32, #tpu.memory_space<vmem_shared>>)
        tpu.yield
      }) : () -> ()
      %add3A_134 = arith.constant 2 : i32
      %add3A_135 = arith.addi %mul3A_126, %add3A_134 : i32
      %dma_start3A_136 = arith.constant 0 : i32
      %dma_start3A_137 = tpu.memref_slice %arg5[%add3A_135, %dma_start3A_136] : memref<40x125xi32, #tpu.memory_space<vmem>> -> memref<1x125xi32, #tpu.memory_space<vmem>>
      %dma_start3A_138 = tpu.memref_squeeze %dma_start3A_137 : memref<1x125xi32, #tpu.memory_space<vmem>> -> memref<125xi32, #tpu.memory_space<vmem>>
      %dma_start3A_139 = arith.constant 0 : i32
      %dma_start3A_140 = arith.constant 0 : i32
      %dma_start3A_141 = tpu.memref_slice %arg2[%dma_start3A_139, %dma_start3A_140] : memref<10000x128xf32, #tpu.memory_space<hbm>> -> memref<10000x128xf32, #tpu.memory_space<hbm>>
      tpu.enqueue_indirect_dma source(%dma_start3A_141 : memref<10000x128xf32, #tpu.memory_space<hbm>>) target(%arg8 : memref<125x128xf32, #tpu.memory_space<vmem>>) offsets(%dma_start3A_138 : memref<125xi32, #tpu.memory_space<vmem>>) semaphore(%arg11 : memref<!tpu.dma_semaphore, #tpu.memory_space<semaphore_mem>>)
      %dma_wait3A_142 = arith.constant 0 : i32
      %dma_wait3A_143 = arith.constant 0 : i32
      %dma_wait3A_144 = tpu.memref_slice %arg5[%dma_wait3A_142, %dma_wait3A_143] : memref<40x125xi32, #tpu.memory_space<vmem>> -> memref<1x125xi32, #tpu.memory_space<vmem>>
      %dma_wait3A_145 = tpu.memref_squeeze %dma_wait3A_144 : memref<1x125xi32, #tpu.memory_space<vmem>> -> memref<125xi32, #tpu.memory_space<vmem>>
      %dma_wait3A_146 = arith.constant 0 : i32
      %dma_wait3A_147 = arith.constant 0 : i32
      %dma_wait3A_148 = tpu.memref_slice %arg2[%dma_wait3A_146, %dma_wait3A_147] : memref<10000x128xf32, #tpu.memory_space<hbm>> -> memref<10000x128xf32, #tpu.memory_space<hbm>>
      tpu.wait_indirect_dma semaphore(%arg12 : memref<!tpu.dma_semaphore, #tpu.memory_space<semaphore_mem>>) src(%dma_wait3A_148 : memref<10000x128xf32, #tpu.memory_space<hbm>>) dst(%arg9 : memref<125x128xf32, #tpu.memory_space<vmem>>)
      %add3A_149 = arith.constant 1 : i32
      %add3A_150 = arith.addi %mul3A_126, %add3A_149 : i32
      "tpu.region"() ({
        %run_scoped3A_162 = tpu.sem_alloc : memref<!tpu.dma_semaphore, #tpu.memory_space<semaphore_mem>>
        %dma_start3A_163 = arith.constant 0 : i32
        %dma_start3A_164 = tpu.memref_slice %arg6[%add3A_150, %dma_start3A_163] : memref<40x125xi32, #tpu.memory_space<vmem>> -> memref<1x125xi32, #tpu.memory_space<vmem>>
        %dma_start3A_165 = tpu.memref_squeeze %dma_start3A_164 : memref<1x125xi32, #tpu.memory_space<vmem>> -> memref<125xi32, #tpu.memory_space<vmem>>
        %dma_start3A_166 = arith.constant 0 : i32
        %dma_start3A_167 = arith.constant 0 : i32
        %dma_start3A_168 = tpu.memref_slice %arg10[%dma_start3A_166, %dma_start3A_167] : memref<10240x128xf32, #tpu.memory_space<vmem_shared>> -> memref<10240x128xf32, #tpu.memory_space<vmem_shared>>
        tpu.enqueue_indirect_dma source(%arg9 : memref<125x128xf32, #tpu.memory_space<vmem>>) target(%dma_start3A_168 : memref<10240x128xf32, #tpu.memory_space<vmem_shared>>) offsets(%dma_start3A_165 : memref<125xi32, #tpu.memory_space<vmem>>) semaphore(%run_scoped3A_162 : memref<!tpu.dma_semaphore, #tpu.memory_space<semaphore_mem>>) {add = true}
        %dma_wait3A_169 = arith.constant 0 : i32
        %dma_wait3A_170 = tpu.memref_slice %arg6[%add3A_150, %dma_wait3A_169] : memref<40x125xi32, #tpu.memory_space<vmem>> -> memref<1x125xi32, #tpu.memory_space<vmem>>
        %dma_wait3A_171 = tpu.memref_squeeze %dma_wait3A_170 : memref<1x125xi32, #tpu.memory_space<vmem>> -> memref<125xi32, #tpu.memory_space<vmem>>
        %dma_wait3A_172 = arith.constant 0 : i32
        %dma_wait3A_173 = arith.constant 0 : i32
        %dma_wait3A_174 = tpu.memref_slice %arg10[%dma_wait3A_172, %dma_wait3A_173] : memref<10240x128xf32, #tpu.memory_space<vmem_shared>> -> memref<10240x128xf32, #tpu.memory_space<vmem_shared>>
        tpu.wait_indirect_dma semaphore(%run_scoped3A_162 : memref<!tpu.dma_semaphore, #tpu.memory_space<semaphore_mem>>) src(%arg9 : memref<125x128xf32, #tpu.memory_space<vmem>>) dst(%dma_wait3A_174 : memref<10240x128xf32, #tpu.memory_space<vmem_shared>>)
        tpu.yield
      }) : () -> ()
      %add3A_151 = arith.constant 2 : i32
      %add3A_152 = arith.addi %mul3A_126, %add3A_151 : i32
      %add3A_153 = arith.constant 1 : i32
      %add3A_154 = arith.addi %add3A_152, %add3A_153 : i32
      %dma_start3A_155 = arith.constant 0 : i32
      %dma_start3A_156 = tpu.memref_slice %arg5[%add3A_154, %dma_start3A_155] : memref<40x125xi32, #tpu.memory_space<vmem>> -> memref<1x125xi32, #tpu.memory_space<vmem>>
      %dma_start3A_157 = tpu.memref_squeeze %dma_start3A_156 : memref<1x125xi32, #tpu.memory_space<vmem>> -> memref<125xi32, #tpu.memory_space<vmem>>
      %dma_start3A_158 = arith.constant 0 : i32
      %dma_start3A_159 = arith.constant 0 : i32
      %dma_start3A_160 = tpu.memref_slice %arg2[%dma_start3A_158, %dma_start3A_159] : memref<10000x128xf32, #tpu.memory_space<hbm>> -> memref<10000x128xf32, #tpu.memory_space<hbm>>
      tpu.enqueue_indirect_dma source(%dma_start3A_160 : memref<10000x128xf32, #tpu.memory_space<hbm>>) target(%arg9 : memref<125x128xf32, #tpu.memory_space<vmem>>) offsets(%dma_start3A_157 : memref<125xi32, #tpu.memory_space<vmem>>) semaphore(%arg12 : memref<!tpu.dma_semaphore, #tpu.memory_space<semaphore_mem>>)
      %scan3A_161 = arith.constant 0 : i32
      scf.yield %scan3A_161 : i32
    }
    %scan3A_105 = arith.constant 19 : i32
    %dma_wait3A_106 = arith.constant 0 : i32
    %dma_wait3A_107 = arith.constant 0 : i32
    %dma_wait3A_108 = tpu.memref_slice %arg5[%dma_wait3A_106, %dma_wait3A_107] : memref<40x125xi32, #tpu.memory_space<vmem>> -> memref<1x125xi32, #tpu.memory_space<vmem>>
    %dma_wait3A_109 = tpu.memref_squeeze %dma_wait3A_108 : memref<1x125xi32, #tpu.memory_space<vmem>> -> memref<125xi32, #tpu.memory_space<vmem>>
    %dma_wait3A_110 = arith.constant 0 : i32
    %dma_wait3A_111 = arith.constant 0 : i32
    %dma_wait3A_112 = tpu.memref_slice %arg2[%dma_wait3A_110, %dma_wait3A_111] : memref<10000x128xf32, #tpu.memory_space<hbm>> -> memref<10000x128xf32, #tpu.memory_space<hbm>>
    tpu.wait_indirect_dma semaphore(%arg11 : memref<!tpu.dma_semaphore, #tpu.memory_space<semaphore_mem>>) src(%dma_wait3A_112 : memref<10000x128xf32, #tpu.memory_space<hbm>>) dst(%arg8 : memref<125x128xf32, #tpu.memory_space<vmem>>)
    %run_scoped3A_113 = arith.constant 38 : i32
    "tpu.region"() ({
      %run_scoped3A_123 = tpu.sem_alloc : memref<!tpu.dma_semaphore, #tpu.memory_space<semaphore_mem>>
      %dma_start3A_124 = arith.constant 0 : i32
      %dma_start3A_125 = tpu.memref_slice %arg6[%run_scoped3A_113, %dma_start3A_124] : memref<40x125xi32, #tpu.memory_space<vmem>> -> memref<1x125xi32, #tpu.memory_space<vmem>>
      %dma_start3A_126 = tpu.memref_squeeze %dma_start3A_125 : memref<1x125xi32, #tpu.memory_space<vmem>> -> memref<125xi32, #tpu.memory_space<vmem>>
      %dma_start3A_127 = arith.constant 0 : i32
      %dma_start3A_128 = arith.constant 0 : i32
      %dma_start3A_129 = tpu.memref_slice %arg10[%dma_start3A_127, %dma_start3A_128] : memref<10240x128xf32, #tpu.memory_space<vmem_shared>> -> memref<10240x128xf32, #tpu.memory_space<vmem_shared>>
      tpu.enqueue_indirect_dma source(%arg8 : memref<125x128xf32, #tpu.memory_space<vmem>>) target(%dma_start3A_129 : memref<10240x128xf32, #tpu.memory_space<vmem_shared>>) offsets(%dma_start3A_126 : memref<125xi32, #tpu.memory_space<vmem>>) semaphore(%run_scoped3A_123 : memref<!tpu.dma_semaphore, #tpu.memory_space<semaphore_mem>>) {add = true}
      %dma_wait3A_130 = arith.constant 0 : i32
      %dma_wait3A_131 = tpu.memref_slice %arg6[%run_scoped3A_113, %dma_wait3A_130] : memref<40x125xi32, #tpu.memory_space<vmem>> -> memref<1x125xi32, #tpu.memory_space<vmem>>
      %dma_wait3A_132 = tpu.memref_squeeze %dma_wait3A_131 : memref<1x125xi32, #tpu.memory_space<vmem>> -> memref<125xi32, #tpu.memory_space<vmem>>
      %dma_wait3A_133 = arith.constant 0 : i32
      %dma_wait3A_134 = arith.constant 0 : i32
      %dma_wait3A_135 = tpu.memref_slice %arg10[%dma_wait3A_133, %dma_wait3A_134] : memref<10240x128xf32, #tpu.memory_space<vmem_shared>> -> memref<10240x128xf32, #tpu.memory_space<vmem_shared>>
      tpu.wait_indirect_dma semaphore(%run_scoped3A_123 : memref<!tpu.dma_semaphore, #tpu.memory_space<semaphore_mem>>) src(%arg8 : memref<125x128xf32, #tpu.memory_space<vmem>>) dst(%dma_wait3A_135 : memref<10240x128xf32, #tpu.memory_space<vmem_shared>>)
      tpu.yield
    }) : () -> ()
    %dma_wait3A_114 = arith.constant 0 : i32
    %dma_wait3A_115 = arith.constant 0 : i32
    %dma_wait3A_116 = tpu.memref_slice %arg5[%dma_wait3A_114, %dma_wait3A_115] : memref<40x125xi32, #tpu.memory_space<vmem>> -> memref<1x125xi32, #tpu.memory_space<vmem>>
    %dma_wait3A_117 = tpu.memref_squeeze %dma_wait3A_116 : memref<1x125xi32, #tpu.memory_space<vmem>> -> memref<125xi32, #tpu.memory_space<vmem>>
    %dma_wait3A_118 = arith.constant 0 : i32
    %dma_wait3A_119 = arith.constant 0 : i32
    %dma_wait3A_120 = tpu.memref_slice %arg2[%dma_wait3A_118, %dma_wait3A_119] : memref<10000x128xf32, #tpu.memory_space<hbm>> -> memref<10000x128xf32, #tpu.memory_space<hbm>>
    tpu.wait_indirect_dma semaphore(%arg12 : memref<!tpu.dma_semaphore, #tpu.memory_space<semaphore_mem>>) src(%dma_wait3A_120 : memref<10000x128xf32, #tpu.memory_space<hbm>>) dst(%arg9 : memref<125x128xf32, #tpu.memory_space<vmem>>)
    %run_scoped3A_121 = arith.constant 39 : i32
    "tpu.region"() ({
      %run_scoped3A_123 = tpu.sem_alloc : memref<!tpu.dma_semaphore, #tpu.memory_space<semaphore_mem>>
      %dma_start3A_124 = arith.constant 0 : i32
      %dma_start3A_125 = tpu.memref_slice %arg6[%run_scoped3A_121, %dma_start3A_124] : memref<40x125xi32, #tpu.memory_space<vmem>> -> memref<1x125xi32, #tpu.memory_space<vmem>>
      %dma_start3A_126 = tpu.memref_squeeze %dma_start3A_125 : memref<1x125xi32, #tpu.memory_space<vmem>> -> memref<125xi32, #tpu.memory_space<vmem>>
      %dma_start3A_127 = arith.constant 0 : i32
      %dma_start3A_128 = arith.constant 0 : i32
      %dma_start3A_129 = tpu.memref_slice %arg10[%dma_start3A_127, %dma_start3A_128] : memref<10240x128xf32, #tpu.memory_space<vmem_shared>> -> memref<10240x128xf32, #tpu.memory_space<vmem_shared>>
      tpu.enqueue_indirect_dma source(%arg9 : memref<125x128xf32, #tpu.memory_space<vmem>>) target(%dma_start3A_129 : memref<10240x128xf32, #tpu.memory_space<vmem_shared>>) offsets(%dma_start3A_126 : memref<125xi32, #tpu.memory_space<vmem>>) semaphore(%run_scoped3A_123 : memref<!tpu.dma_semaphore, #tpu.memory_space<semaphore_mem>>) {add = true}
      %dma_wait3A_130 = arith.constant 0 : i32
      %dma_wait3A_131 = tpu.memref_slice %arg6[%run_scoped3A_121, %dma_wait3A_130] : memref<40x125xi32, #tpu.memory_space<vmem>> -> memref<1x125xi32, #tpu.memory_space<vmem>>
      %dma_wait3A_132 = tpu.memref_squeeze %dma_wait3A_131 : memref<1x125xi32, #tpu.memory_space<vmem>> -> memref<125xi32, #tpu.memory_space<vmem>>
      %dma_wait3A_133 = arith.constant 0 : i32
      %dma_wait3A_134 = arith.constant 0 : i32
      %dma_wait3A_135 = tpu.memref_slice %arg10[%dma_wait3A_133, %dma_wait3A_134] : memref<10240x128xf32, #tpu.memory_space<vmem_shared>> -> memref<10240x128xf32, #tpu.memory_space<vmem_shared>>
      tpu.wait_indirect_dma semaphore(%run_scoped3A_123 : memref<!tpu.dma_semaphore, #tpu.memory_space<semaphore_mem>>) src(%arg9 : memref<125x128xf32, #tpu.memory_space<vmem>>) dst(%dma_wait3A_135 : memref<10240x128xf32, #tpu.memory_space<vmem_shared>>)
      tpu.yield
    }) : () -> ()
    %barrier3A_122 = arith.constant 0 : index
    tpu.barrier barrier_id(%barrier3A_122)
    "tpu.region"() ({
      %run_scoped3A_123 = tpu.sem_alloc : memref<!tpu.dma_semaphore, #tpu.memory_space<semaphore_mem>>
      %dma_start3A_124 = arith.constant 0 : i32
      %dma_start3A_125 = tpu.memref_slice %arg4[%arg0, %mul3A_24, %dma_start3A_124] : memref<2x10240x128xf32, #tpu.memory_space<hbm>> -> memref<1x640x128xf32, #tpu.memory_space<hbm>>
      %dma_start3A_126 = tpu.memref_squeeze %dma_start3A_125 : memref<1x640x128xf32, #tpu.memory_space<hbm>> -> memref<640x128xf32, #tpu.memory_space<hbm>>
      %dma_start3A_127 = arith.constant 0 : i32
      %dma_start3A_128 = tpu.memref_slice %arg10[%mul3A_24, %dma_start3A_127] : memref<10240x128xf32, #tpu.memory_space<vmem_shared>> -> memref<640x128xf32, #tpu.memory_space<vmem_shared>>
      tpu.enqueue_dma source(%dma_start3A_128 : memref<640x128xf32, #tpu.memory_space<vmem_shared>>) target(%dma_start3A_126 : memref<640x128xf32, #tpu.memory_space<hbm>>) target_semaphore(%run_scoped3A_123 : memref<!tpu.dma_semaphore, #tpu.memory_space<semaphore_mem>>)
      %dma_wait3A_129 = arith.constant 0 : i32
      %dma_wait3A_130 = tpu.memref_slice %arg4[%arg0, %mul3A_24, %dma_wait3A_129] : memref<2x10240x128xf32, #tpu.memory_space<hbm>> -> memref<1x640x128xf32, #tpu.memory_space<hbm>>
      %dma_wait3A_131 = tpu.memref_squeeze %dma_wait3A_130 : memref<1x640x128xf32, #tpu.memory_space<hbm>> -> memref<640x128xf32, #tpu.memory_space<hbm>>
      %dma_wait3A_132 = arith.constant 0 : i32
      %dma_wait3A_133 = tpu.memref_slice %arg10[%mul3A_24, %dma_wait3A_132] : memref<10240x128xf32, #tpu.memory_space<vmem_shared>> -> memref<640x128xf32, #tpu.memory_space<vmem_shared>>
      tpu.wait_dma2 semaphore(%run_scoped3A_123 : memref<!tpu.dma_semaphore, #tpu.memory_space<semaphore_mem>>) src(%dma_wait3A_133 : memref<640x128xf32, #tpu.memory_space<vmem_shared>>) dst(%dma_wait3A_131 : memref<640x128xf32, #tpu.memory_space<hbm>>)
      tpu.yield
    }) : () -> ()
    return
  }
}

module attributes {stable_mosaic.version = 14 : i64} {
  func.func @body(%arg0: i32, %arg1: memref<1x1000x128xf32, #tpu.memory_space<vmem>>, %arg2: memref<1x1000x128xf32, #tpu.memory_space<vmem>>, %arg3: memref<1000x128xf32, #tpu.memory_space<vmem>>, %arg4: memref<128x128xf32, #tpu.memory_space<vmem>>, %arg5: memref<128x128xf32, #tpu.memory_space<vmem>>, %arg6: memref<1000x128xf32, #tpu.memory_space<vmem>>) attributes {dimension_semantics = [#tpu.dimension_semantics<arbitrary>], iteration_bounds = array<i64: 10>, scalar_prefetch = 0 : i64, scratch_operands = 0 : i64, tpu.core_type = #tpu.core_type<tc>, window_params = [{transform_indices = @transform_0, window_bounds = array<i64: 1, 1000, 128>}, {transform_indices = @transform_1, window_bounds = array<i64: 1, 1000, 128>}, {transform_indices = @transform_2, window_bounds = array<i64: 1000, 128>}, {pipeline_mode = #tpu.pipeline_mode<synchronous>, transform_indices = @transform_3, window_bounds = array<i64: 128, 128>}, {pipeline_mode = #tpu.pipeline_mode<synchronous>, transform_indices = @transform_4, window_bounds = array<i64: 128, 128>}, {transform_indices = @transform_5, window_bounds = array<i64: 1000, 128>}]} {
    %get3A = arith.constant 0 : index
    %get3A_0 = arith.constant 0 : index
    %get3A_1 = arith.constant 0 : index
    %get3A_2 = vector.load %arg1[%get3A, %get3A_0, %get3A_1] : memref<1x1000x128xf32, #tpu.memory_space<vmem>>, vector<1x1000x128xf32>
    %get3A_3 = vector.shape_cast %get3A_2 : vector<1x1000x128xf32> to vector<1000x128xf32>
    %get3A_4 = arith.constant 0 : index
    %get3A_5 = arith.constant 0 : index
    %get3A_6 = arith.constant 0 : index
    %get3A_7 = vector.load %arg2[%get3A_4, %get3A_5, %get3A_6] : memref<1x1000x128xf32, #tpu.memory_space<vmem>>, vector<1x1000x128xf32>
    %get3A_8 = vector.shape_cast %get3A_7 : vector<1x1000x128xf32> to vector<1000x128xf32>
    %add3A = arith.addf %get3A_3, %get3A_8 : vector<1000x128xf32>
    %get3A_9 = arith.constant 0 : index
    %get3A_10 = arith.constant 0 : index
    %get3A_11 = vector.load %arg4[%get3A_9, %get3A_10] : memref<128x128xf32, #tpu.memory_space<vmem>>, vector<128x128xf32>
    %dot_general3A = arith.constant dense<0.000000e+00> : vector<1000x128xf32>
    %dot_general3A_12 = tpu.matmul %add3A, %get3A_11, %dot_general3A {dimension_numbers = #tpu.dot_dimension_numbers<[1], [1], [0], [0], [0, 0, 1, 0], [], []>, transpose_lhs_hint = false} : vector<1000x128xf32>, vector<128x128xf32>, vector<1000x128xf32> -> vector<1000x128xf32>
    %get3A_13 = arith.constant 0 : index
    %get3A_14 = arith.constant 0 : index
    %get3A_15 = vector.load %arg3[%get3A_13, %get3A_14] : memref<1000x128xf32, #tpu.memory_space<vmem>>, vector<1000x128xf32>
    %get3A_16 = arith.constant 0 : index
    %get3A_17 = arith.constant 0 : index
    %get3A_18 = vector.load %arg5[%get3A_16, %get3A_17] : memref<128x128xf32, #tpu.memory_space<vmem>>, vector<128x128xf32>
    %dot_general3A_19 = arith.constant dense<0.000000e+00> : vector<1000x128xf32>
    %dot_general3A_20 = tpu.matmul %get3A_15, %get3A_18, %dot_general3A_19 {dimension_numbers = #tpu.dot_dimension_numbers<[1], [1], [0], [0], [0, 0, 1, 0], [], []>, transpose_lhs_hint = false} : vector<1000x128xf32>, vector<128x128xf32>, vector<1000x128xf32> -> vector<1000x128xf32>
    %add3A_21 = arith.addf %dot_general3A_12, %dot_general3A_20 : vector<1000x128xf32>
    %max3A = arith.constant 0.000000e+00 : f32
    %max3A_22 = vector.broadcast %max3A : f32 to vector<1000x128xf32>
    %max3A_23 = arith.maximumf %add3A_21, %max3A_22 : vector<1000x128xf32>
    %swap3A = arith.constant 0 : index
    %swap3A_24 = arith.constant 0 : index
    %swap3A_25 = vector.load %arg6[%swap3A, %swap3A_24] : memref<1000x128xf32, #tpu.memory_space<vmem>>, vector<1000x128xf32>
    tpu.vector_store %arg6[%swap3A, %swap3A_24], %max3A_23 {strides = array<i32>} : memref<1000x128xf32, #tpu.memory_space<vmem>>, vector<1000x128xf32>,
    return
  }
  func.func @transform_0(%arg0: i32) -> (i32, i32, i32) {
    %c0_i32 = arith.constant 0 : i32
    %c0_i32_0 = arith.constant 0 : i32
    %c0_i32_1 = arith.constant 0 : i32
    return %c0_i32, %arg0, %c0_i32_0 : i32, i32, i32
  }
  func.func @transform_1(%arg0: i32) -> (i32, i32, i32) {
    %c1_i32 = arith.constant 1 : i32
    %c0_i32 = arith.constant 0 : i32
    %c0_i32_0 = arith.constant 0 : i32
    return %c1_i32, %arg0, %c0_i32 : i32, i32, i32
  }
  func.func @transform_2(%arg0: i32) -> (i32, i32) {
    %c0_i32 = arith.constant 0 : i32
    %c0_i32_0 = arith.constant 0 : i32
    return %arg0, %c0_i32 : i32, i32
  }
  func.func @transform_3(%arg0: i32) -> (i32, i32) {
    %c0_i32 = arith.constant 0 : i32
    %c0_i32_0 = arith.constant 0 : i32
    %c0_i32_1 = arith.constant 0 : i32
    return %c0_i32, %c0_i32_0 : i32, i32
  }
  func.func @transform_4(%arg0: i32) -> (i32, i32) {
    %c0_i32 = arith.constant 0 : i32
    %c0_i32_0 = arith.constant 0 : i32
    %c0_i32_1 = arith.constant 0 : i32
    return %c0_i32, %c0_i32_0 : i32, i32
  }
  func.func @transform_5(%arg0: i32) -> (i32, i32) {
    %c0_i32 = arith.constant 0 : i32
    %c0_i32_0 = arith.constant 0 : i32
    return %arg0, %c0_i32 : i32, i32
  }
}

</mosaic_0001>

<sc_bundles>
// kernel: kernel.4.cloned.1.call-start
scs
__scs_entry_jumppad:
0x0: {  	(pc) =	sbr.rel $0x88, $3  }
0x1: {  	(tag) =	ssettag $0x0;
	lr =	simm.s32 $0x1  }
0x2: {  	[smem:$0x3F9D] =	sst lr;
	_ =	strace $0xD0000000  }
0x3: {  	_ = 	snop  }
0x4: {  	_ = 	snop  }
0x5: {  	_ = 	snop  }
0x6: {  	_ = 	snop  }
0x7: {  	_ = 	snop  }
__scs_overlays_trampoline_lowered:
0x8: {  	[smem:$0x3FAC] =	sst s0  }
0x9: {  	[smem:$0x3FAD] =	sst s1  }
0xa: {  	[smem:$0x3FAE] =	sst s2  }
0xb: {  	[smem:$0x3FAF] =	sst s3  }
0xc: {  	[smem:$0x3FB0] =	sst s4  }
0xd: {  	[smem:$0x3FB1] =	sst s5  }
0xe: {  	[smem:$0x3FB2] =	sst s6  }
0xf: {  	[smem:$0x3FB3] =	sst s7  }
0x10: {  	[smem:$0x3FB4] =	sst s8  }
0x11: {  	[smem:$0x3FB5] =	sst s9;
	s0 =	simm.s32 @!p0 $0x0  }
0x12: {  	s1 =	sld [smem:$0x3F9B];
	s0 =	simm.s32 @p0 $0x1  }
0x13: {  	[smem:$0x3FB6] =	sst s0;
	s0 =	simm.s32 @!p1 $0x0  }
0x14: {  	s2 =	sld [smem:$0x3F9A];
	s0 =	simm.s32 @p1 $0x1  }
0x15: {  	[smem:$0x3FB7] =	sst s0;
	s0 =	simm.s32 @!p2 $0x0  }
0x16: {  	s3 =	sld [smem:$0x3FDB];
	s0 =	simm.s32 @p2 $0x1  }
0x17: {  	s4 =	simm.s32 $0x1BF5;
	[smem:$0x3FB9] =	sst s0  }
0x18: {  	s0 =	sld [smem:$0x3F9C];
	_ =	swait.ge [sflag:s4], $0x0  }
0x19: {  	s7 =	sld [smem:$0x3F9D]  }
0x1a: {  	s8 =	sadd.s32 $0xFFFFE003, lr  }
0x1b: {  	s9 =	sadd.s32 $0xFFFFFEF7, lr;
	s5 =	simm.s32 $0xFFFFFFFF;
	p2 =	slt.u32 s8, $0xFFFFF086  }
0x1c: {  	p1 =	slt.u32 s9, $0xF7A;
	s5 =	simm.s32 @!p2 $0x0  }
0x1d: {  	s5 =	simm.s32 @p1 $0x1;
	p0 =	seq.s32 s7, s2  }
0x1e: {  	s7 =	smul.u32 @!p0 $0xF7A, s2;
	p2 =	seq.s32 @!p0 s5, $0x0  }
0x1f: {  	s9 =	smul.u32 $0xF7A, s1;
	s8 =	simm.s32 @!p0 $0x1BF5;
	p2 =	por !p2, p0  }
0x20: {  	[sflag:s8] =	ssyncset.s32 @!p0 $0xFFFFF086;
	s6 =	sadd.s32 @!p0 s3, s7;
	s7 =	simm.s32 @!p0 $0x108  }
0x21: {  	s3 =	sadd.s32 s3, s9;
	s6 =	sadd.s32 @!p0 $0x88, s6;
	s7 =	simm.s32 @p2 $0x1082  }
0x22: {  	[simem:s7], [sflag:s8] =	dma.local @!p0 [hbm:s6], $0xF7A  }
0x23: {  	s9 =	sor.u32 $0xD0000000, s2;
	s6 =	simm.s32 $0x108;
	_ =	swait.ge @!p0 [sflag:s8], $0x0  }
0x24: {  	s3 =	sadd.s32 $0x88, s3;
	s6 =	simm.s32 @!p1 $0x1082;
	[sflag:s4] =	ssyncset.s32 $0xFFFFF086  }
0x25: {  	[simem:s6], [sflag:s4] =	dma.local [hbm:s3], $0xF7A  }
0x26: {  	[smem:$0x3F9D] =	sst s1;
	(tag) =	ssettag s2;
	_ =	strace s9  }
0x27: {  	s1 =	sld [smem:$0x3FAD]  }
0x28: {  	s2 =	sld [smem:$0x3FAE]  }
0x29: {  	s4 =	sld [smem:$0x3FB0]  }
0x2a: {  	p0 =	seq.s32 s5, $0x0;
	s5 =	sld [smem:$0x3FB1]  }
0x2b: {  	s6 =	sld [smem:$0x3FB2]  }
0x2c: {  	s7 =	sld [smem:$0x3FB3]  }
0x2d: {  	s3 =	simm.s32 $0x108;
	s8 =	sld [smem:$0x3FB4]  }
0x2e: {  	s3 =	simm.s32 @!p0 $0x1082;
	s9 =	sld [smem:$0x3FB5]  }
0x2f: {  	lr =	sadd.s32 s0, s3;
	s0 =	sld [smem:$0x3FAC]  }
0x30: {  	s3 =	sld [smem:$0x3FAF]  }
0x31: {  	[smem:$0x3FB8] =	sst s10  }
0x32: {  	s10 =	sld [smem:$0x3FB6];
	_ =	sdelay $0x3  }
0x33: {  	p0 =	seq.s32 s10, $0x1;
	s10 =	sld [smem:$0x3FB8];
	_ =	sdelay $0x3  }
0x34: {  	[smem:$0x3FB8] =	sst s10  }
0x35: {  	s10 =	sld [smem:$0x3FB7];
	_ =	sdelay $0x3  }
0x36: {  	p1 =	seq.s32 s10, $0x1;
	s10 =	sld [smem:$0x3FB8];
	_ =	sdelay $0x3  }
0x37: {  	[smem:$0x3FB8] =	sst s10  }
0x38: {  	s10 =	sld [smem:$0x3FB9]  }
0x39: {  	_ = 	snop;
	(pc) =	sbr.ind lr, $3  }
0x3a: {  	_ = 	snop  }
0x3b: {  	_ = 	snop  }
0x3c: {  	p2 =	seq.s32 s10, $0x1;
	s10 =	sld [smem:$0x3FB8]  }
0x3d: {  	_ =	shalt  }
0x3e: {  	_ =	shalt  }
0x3f: {  	_ =	shalt  }
0x40: {  	_ =	shalt  }
0x41: {  	_ =	shalt  }
0x42: {  	_ =	shalt  }
0x43: {  	_ =	shalt  }
0x44: {  	_ =	shalt  }
0x45: {  	_ =	shalt  }
0x46: {  	_ =	shalt  }
0x47: {  	_ =	shalt  }
0x48: {  	_ =	shalt  }
0x49: {  	_ =	shalt  }
0x4a: {  	_ =	shalt  }
0x4b: {  	_ =	shalt  }
0x4c: {  	_ =	shalt  }
0x4d: {  	_ =	shalt  }
0x4e: {  	_ =	shalt  }
0x4f: {  	_ =	shalt  }
0x50: {  	_ =	shalt  }
0x51: {  	_ =	shalt  }
0x52: {  	_ =	shalt  }
0x53: {  	_ =	shalt  }
0x54: {  	_ =	shalt  }
0x55: {  	_ =	shalt  }
0x56: {  	_ =	shalt  }
0x57: {  	_ =	shalt  }
0x58: {  	_ =	shalt  }
0x59: {  	_ =	shalt  }
0x5a: {  	_ =	shalt  }
0x5b: {  	_ =	shalt  }
0x5c: {  	_ =	shalt  }
0x5d: {  	_ =	shalt  }
0x5e: {  	_ =	shalt  }
0x5f: {  	_ =	shalt  }
0x60: {  	_ =	shalt  }
0x61: {  	_ =	shalt  }
0x62: {  	_ =	shalt  }
0x63: {  	_ =	shalt  }
0x64: {  	_ =	shalt  }
0x65: {  	_ =	shalt  }
0x66: {  	_ =	shalt  }
0x67: {  	_ =	shalt  }
0x68: {  	_ =	shalt  }
0x69: {  	_ =	shalt  }
0x6a: {  	_ =	shalt  }
0x6b: {  	_ =	shalt  }
0x6c: {  	_ =	shalt  }
0x6d: {  	_ =	shalt  }
0x6e: {  	_ =	shalt  }
0x6f: {  	_ =	shalt  }
0x70: {  	_ =	shalt  }
0x71: {  	_ =	shalt  }
0x72: {  	_ =	shalt  }
0x73: {  	_ =	shalt  }
0x74: {  	_ =	shalt  }
0x75: {  	_ =	shalt  }
0x76: {  	_ =	shalt  }
0x77: {  	_ =	shalt  }
0x78: {  	_ =	shalt  }
0x79: {  	_ =	shalt  }
0x7a: {  	_ =	shalt  }
0x7b: {  	_ =	shalt  }
0x7c: {  	_ =	shalt  }
0x7d: {  	_ =	shalt  }
0x7e: {  	_ =	shalt  }
0x7f: {  	_ =	shalt  }
0x80: {  	_ =	shalt  }
0x81: {  	_ =	shalt  }
0x82: {  	_ =	shalt  }
0x83: {  	_ =	shalt  }
0x84: {  	_ =	shalt  }
0x85: {  	_ =	shalt  }
0x86: {  	_ =	shalt  }
0x87: {  	_ =	shalt  }
.Lfunc_end0:
.L_simem_size_0:
called_computation_lowered:
.L_overlay_start_0:
0x88: {  	s2 =	sld [smem:$0x3FD9]  }
0x89: {  	s3 =	sld [smem:$0x3FFE];
	_ =	sdelay $0x1  }
0x8a: {  	s1 =	srdreg.scid  }
0x8b: {  	s0 =	sand.u32 $0x1, s1  }
0x8c: {  	s17 =	sshll.u32 s0, $0xA;
	s2 =	sadd.s32 s3, s2  }
0x8d: {  	s2 =	sadd.s32 s2, s17  }
0x8e: {  	[smem:$0x3FC4] =	sst s2  }
0x8f: {  	_ = 	snop  }
0x90: {  	s2 =	sld [smem:$0x3FC9]  }
0x91: {  	s18 =	sld [smem:$0x3FD0];
	(tm) =	ssettm $0x1  }
0x92: {  	s4 =	sld [smem:$0x3FFB];
	_ =	sdelay $0x3  }
0x93: {  	_ =	strace s4  }
0x94: {  	s4 =	sld [smem:$0x3FFC];
	_ =	sdelay $0x3  }
0x95: {  	_ =	strace s4  }
0x96: {  	s4 =	sld [smem:$0x3FFD];
	_ =	sdelay $0x3  }
0x97: {  	_ =	strace s4  }
0x98: {  	_ =	strace $0x8FFFFFFF  }
0x99: {  	s19 =	sld [smem:$0x3FDB];
	_ =	sdelay $0x1  }
0x9a: {  	s5 =	simm.s32 $_scs_section_size  }
0x9b: {  	s6 =	simm.s32 $_size__tile_overlayer_lowered;
	s7 =	simm.s32 $_tile_overlayer_lowered  }
0x9c: {  	s22 =	simm.s32 $0x1BFF;
	s21 =	sshll.u32 s7, $0x1;
	s4 =	sadd.s32 s5, s19  }
0x9d: {  	s8 =	simm.s32 $0x0;
	s20 =	sshll.u32 s6, $0x1;
	s6 =	sadd.s32 s21, s4  }
0x9e: {  	[timem:s8], [sflag:s22] =	dma.local [hbm:s6], s20  }
0x9f: {  	_ =	swait.ge [sflag:s22], s20  }
0xa0: {  	s5 =	ssub.s32 $0x0, s20;
	[sflag:s22] =	ssyncset.done $0x0  }
0xa1: {  	[sflag:s22] =	ssyncadd.s32 s5;
	_ =	sdelay $0x1  }
0xa2: {  	s23 =	simm.s32 $0x1B8B  }
0xa3: {  	_ =	swait.ge [sflag:s23], $0x1  }
0xa4: {  	[sflag:s23] =	ssyncset.done $0x0  }
0xa5: {  	s25 =	simm.s32 $0x1B8E;
	s24 =	sld [smem:$0x3FFE];
	[sflag:s23] =	ssyncadd.s32 $0xFFFFFFFF  }
0xa6: {  	s26 =	simm.s32 $execute0_lowered;
	[smem:$0x3FD2] =	sst s25  }
0xa7: {  	s6 =	sshll.u32 s26, $0x1;
	_ =	strace $0x80000046;
	[dreg:$0x1] =	wrdreg $0xFFFFFFFF  }
0xa8: {  	s28 =	simm.s32 $_size_execute0_lowered;
	s4 =	sadd.s32 s4, s6;
	[dreg:$0x0] =	wrdreg $0x0  }
0xa9: {  	s6 =	sshll.u32 s28, $0x1;
	[dreg:$0x2] =	wrdreg s4  }
0xaa: {  	[dreg:$0x3] =	wrdreg s6  }
0xab: {  	[dreg:$0x4] =	wrdreg $0xC0  }
0xac: {  	_ =	task [dreg:s8], $0x5FFFF  }
0xad: {  	[dreg:$0x1] =	wrdreg $0xFFFFFFFF  }
0xae: {  	[dreg:$0x0] =	wrdreg $0x60  }
0xaf: {  	[dreg:$0x2] =	wrdreg s2  }
0xb0: {  	[dreg:$0x3] =	wrdreg s18  }
0xb1: {  	[dreg:$0x4] =	wrdreg s24  }
0xb2: {  	[dreg:$0x5] =	wrdreg $0xBC000  }
0xb3: {  	[dreg:$0x6] =	wrdreg $0x9  }
0xb4: {  	_ =	task.clear_ibuf [dreg:s8], $0x7FFFF;
	_ =	strace $0x90000046  }
0xb5: {  	s29 =	simm.s32 $0x9;
	_ =	strace $0x80000048  }
0xb6: {  	_ =	swait.ge [sflag:s29], $0x1  }
0xb7: {  	[sflag:s29] =	ssyncadd.s32 $0xFFFFFFFF  }
0xb8: {  	_ =	strace $0x90000048  }
0xb9: {  	_ =	sfence  }
0xba: {  	s30 =	sld [smem:$0x0];
	_ =	sdelay $0x2  }
0xbb: {  	s31 =	sshll.u32 s1, $0xD;
	s1 =	sshrl.u32 s1, $0x2  }
0xbc: {  	s3 =	sand.u32 $0x4000, s31;
	s1 =	sadd.s32 s1, s30  }
0xbd: {  	s0 =	sor.u32 s3, s0;
	s1 =	sshll.u32 s1, $0x11  }
0xbe: {  	s0 =	sor.u32 s1, s0  }
0xbf: {  	s0 =	sadd.s32 $0x8F2B, s0  }
0xc0: {  	[sflag:s0] =	ssyncadd.remote.s32 $0x1  }
0xc1: {  	_ =	sfence.sel $0xFFFF  }
0xc2: {  	[dreg:$0x0] =	wrdreg $0xFFFFFFFF;
	(pc) =	sbr.abs _section_cstart, $3  }
0xc3: {  	[dreg:$0x1] =	wrdreg $0xFFFFFFFF  }
0xc4: {  	_ =	task.clear_ibuf [dreg:s8], $0x2FFFF;
	_ =	strace $0x9FFFFFFF  }
0xc5: {  	(tm) =	ssettm $0x7FFFFFFF  }
tec
execute0_lowered:
.L_overlay_start_1:
0x0: {  	(tag) =	ssettag $0x1  }
0x1: {  	s0 =	rddreg [dreg:$0x0]  }
0x2: {  	s1 =	rddreg [dreg:$0x1]  }
0x3: {  	s2 =	srdreg.scid;
	s5 =	rddreg [dreg:$0x2]  }
0x4: {  	s9 =	stileid.u32;
	s3 =	rddreg [dreg:$0x3];
	s28 =	simm.s32 $0x3  }
0x5: {  	s29 =	simm.s32 $0x1400;
	s30 =	simm.s32 $0x7D;
	s7 =	smul.u32 $0x14000, s9  }
0x6: {  	s31 =	simm.s32 $0x3C00;
	s2 =	sand.u32 $0x1, s2;
	s10 =	smul.u32 $0x50000, s9  }
0x7: {  	s6 =	smul.u32 $0x140000, s2;
	s4 =	sshll.u32 s2, $0x4;
	s2 =	ssub.s32 $0x2, s2  }
0x8: {  	s8 =	sor.u32 s9, s4;
	s4 =	simm.s32 $0x0;
	s13 =	sshrl.u32 s10, $0x2  }
0x9: {  	s14 =	sshrl.u32 s2, $0x1;
	s9 =	simm.s32 $0x2;
	s10 =	simm.s32 $0x2700  }
0xa: {  	s6 =	sadd.s32 s7, s6;
	s8 =	smul.u32 $0x1400, s8;
	[smem:$0x7FF] =	sst s4  }
0xb: {  	s15 =	ssub.s32 s2, s14;
	s2 =	simm.s32 $0x80;
	s6 =	sshrl.u32 s6, $0x3  }
0xc: {  	s7 =	simm.s32 $0x2800;
	s11 =	sadd.s32 s6, s5;
	s6 =	sadd.s32 s13, s3  }
0xd: {  	_ =	strace $0x80000047;
	s12 =	sshrl.u32 s8, $0x3;
	s19 =	sadd.s32 $0x1400, s6  }
0xe: {  	s8 =	simm.s32 $0x1;
	s20 =	sadd.s32 $0x2800, s6;
	[dreg:$0x6] =	wrdreg s19  }
0xf: {  	s5 =	sadd.s32 s1, s12;
	s21 =	sadd.s32 $0x3C00, s6;
	[dreg:$0x7] =	wrdreg s20  }
0x10: {  	s22 =	sadd.s32 $0x5000, s6;
	s23 =	sadd.s32 $0x6400, s6;
	[dreg:$0x8] =	wrdreg s21  }
0x11: {  	s24 =	sadd.s32 $0x7800, s6;
	s25 =	sadd.s32 $0x8C00, s6;
	[dreg:$0x9] =	wrdreg s22  }
0x12: {  	s26 =	sadd.s32 $0xA000, s6;
	s16 =	sadd.s32 $0xB400, s6;
	[dreg:$0xa] =	wrdreg s23  }
0x13: {  	s17 =	sadd.s32 $0xC800, s6;
	s1 =	simm.s32 $0x7C00;
	[dreg:$0xb] =	wrdreg s24  }
0x14: {  	s12 =	simm.s32 $0x0;
	s18 =	sadd.s32 $0xA000, s5;
	[dreg:$0xc] =	wrdreg s25  }
0x15: {  	[dreg:$0xd] =	wrdreg s26;
	s19 =	sadd.s32 $0xF000, s6;
	s20 =	sadd.s32 $0x10400, s6  }
0x16: {  	s21 =	sadd.s32 $0x11800, s6;
	s22 =	sadd.s32 $0x12C00, s6;
	s23 =	sadd.s32 $0x5000, s5  }
0x17: {  	s24 =	sadd.s32 $0x1200, s11;
	s25 =	smax.u32 s15, $0x1;
	s26 =	sadd.s32 $0xF000, s5  }
0x18: {  	v0 =	vimm.f32 $0.0e+00;
	s11 =	simm.s32 $0x2780;
	[dreg:$0x5] =	wrdreg s18;
	s18 =	sadd.s32 $0xDC00, s6  }
.LBB2_1:
0x19: {  	[tilespmem:s4], [sflag:$0x3] =	stream.linear.gather [hbm4b:s5+s4], $0x1400, $0x38;
	[tilespmem:$0x1FC00] =	vst v63  }
0x1a: {  	_ =	swait.ge [sflag:s28], $0x1400  }
0x1b: {  	[sflag:s28] =	ssyncset.done $0x0  }
0x1c: {  	s13 =	rddreg [dreg:$0x5];
	[sflag:s28] =	ssyncadd.s32 $0xFFFFEC00  }
0x1d: {  	[tilespmem:s29], [sflag:$0x3] =	stream.linear.gather [hbm4b:s13+s4], $0x1400, $0x38;
	[tilespmem:$0x1FC00] =	vst v63  }
0x1e: {  	_ =	swait.ge [sflag:s28], $0x1400  }
0x1f: {  	[sflag:s28] =	ssyncset.done $0x0  }
0x20: {  	[sflag:s28] =	ssyncadd.s32 $0xFFFFEC00  }
0x21: {  	[tilespmem:s31], [sflag:$0x1] =	stream.indirect.gather [hbm4b:s0+s30], $0x80, s4, s30, $0xb8;
	[tilespmem:$0x1FC00] =	vst v63  }
0x22: {  	s14 =	simm.s32 $0x3C0;
	s13 =	simm.s32 $0x70  }
0x23: {  	[tilespmem:s1], [sflag:$0x2] =	stream.indirect.gather [hbm4b:s0+s30], $0x80, s2, s30, $0xb8;
	[tilespmem:$0x1FC00] =	vst v63  }
.LBB2_2:
0x24: {  	p0 =	sne.s32 s14, $0x4FC0;
	[tilespmem:s13+$0x2800] =	vst v0  }
0x25: {  	[tilespmem:s13+$0x2790] =	vst v0  }
0x26: {  	[tilespmem:s13+$0x27A0] =	vst v0  }
.Ltmp0:
0x27: {  	[tilespmem:s13+$0x27B0] =	vst v0;
	(pc) =	sbr.rel @p0 .LBB2_2-.Ltmp0, $4  }
0x28: {  	[tilespmem:s13+$0x27C0] =	vst v0  }
0x29: {  	[tilespmem:s13+$0x27D0] =	vst v0  }
0x2a: {  	[tilespmem:s13+$0x27E0] =	vst v0  }
0x2b: {  	[tilespmem:s13+$0x27F0] =	vst v0;
	s13 =	sshra.s32 s14, $0x2;
	s14 =	sadd.s32 $0x200, s14  }
0x2c: {  	[tilespmem:s13+$0x2800] =	vst v0  }
0x2d: {  	[tilespmem:s13+$0x2790] =	vst v0  }
0x2e: {  	[tilespmem:s13+$0x27A0] =	vst v0  }
0x2f: {  	[tilespmem:s13+$0x27B0] =	vst v0  }
0x30: {  	[tilespmem:s13+$0x27C0] =	vst v0  }
0x31: {  	[tilespmem:s13+$0x27D0] =	vst v0  }
0x32: {  	[tilespmem:s13+$0x27E0] =	vst v0  }
0x33: {  	[tilespmem:s13+$0x27F0] =	vst v0  }
0x34: {  	[spmem:s6] =	stream.linear.scatter [tilespmem:s7], [sflag:$0x3], $0x1400, $0x38;
	[tilespmem:$0x1FC00] =	vst v63  }
0x35: {  	_ =	swait.ge [sflag:s28], $0x1400  }
0x36: {  	[sflag:s28] =	ssyncset.done $0x0  }
0x37: {  	s15 =	rddreg [dreg:$0x6];
	[sflag:s28] =	ssyncadd.s32 $0xFFFFEC00  }
0x38: {  	[spmem:s15] =	stream.linear.scatter [tilespmem:s7], [sflag:$0x3], $0x1400, $0x38;
	[tilespmem:$0x1FC00] =	vst v63  }
0x39: {  	_ =	swait.ge [sflag:s28], $0x1400  }
0x3a: {  	[sflag:s28] =	ssyncset.done $0x0  }
0x3b: {  	s14 =	rddreg [dreg:$0x7];
	[sflag:s28] =	ssyncadd.s32 $0xFFFFEC00  }
0x3c: {  	[spmem:s14] =	stream.linear.scatter [tilespmem:s7], [sflag:$0x3], $0x1400, $0x38;
	[tilespmem:$0x1FC00] =	vst v63  }
0x3d: {  	_ =	swait.ge [sflag:s28], $0x1400  }
0x3e: {  	[sflag:s28] =	ssyncset.done $0x0  }
0x3f: {  	s15 =	rddreg [dreg:$0x8];
	[sflag:s28] =	ssyncadd.s32 $0xFFFFEC00  }
0x40: {  	[spmem:s15] =	stream.linear.scatter [tilespmem:s7], [sflag:$0x3], $0x1400, $0x38;
	[tilespmem:$0x1FC00] =	vst v63  }
0x41: {  	_ =	swait.ge [sflag:s28], $0x1400  }
0x42: {  	[sflag:s28] =	ssyncset.done $0x0  }
0x43: {  	s14 =	rddreg [dreg:$0x9];
	[sflag:s28] =	ssyncadd.s32 $0xFFFFEC00  }
0x44: {  	[spmem:s14] =	stream.linear.scatter [tilespmem:s7], [sflag:$0x3], $0x1400, $0x38;
	[tilespmem:$0x1FC00] =	vst v63  }
0x45: {  	_ =	swait.ge [sflag:s28], $0x1400  }
0x46: {  	[sflag:s28] =	ssyncset.done $0x0  }
0x47: {  	s15 =	rddreg [dreg:$0xa];
	[sflag:s28] =	ssyncadd.s32 $0xFFFFEC00  }
0x48: {  	[spmem:s15] =	stream.linear.scatter [tilespmem:s7], [sflag:$0x3], $0x1400, $0x38;
	[tilespmem:$0x1FC00] =	vst v63  }
0x49: {  	_ =	swait.ge [sflag:s28], $0x1400  }
0x4a: {  	[sflag:s28] =	ssyncset.done $0x0  }
0x4b: {  	s14 =	rddreg [dreg:$0xb];
	[sflag:s28] =	ssyncadd.s32 $0xFFFFEC00  }
0x4c: {  	[spmem:s14] =	stream.linear.scatter [tilespmem:s7], [sflag:$0x3], $0x1400, $0x38;
	[tilespmem:$0x1FC00] =	vst v63  }
0x4d: {  	_ =	swait.ge [sflag:s28], $0x1400  }
0x4e: {  	[sflag:s28] =	ssyncset.done $0x0  }
0x4f: {  	s15 =	rddreg [dreg:$0xc];
	[sflag:s28] =	ssyncadd.s32 $0xFFFFEC00  }
0x50: {  	[spmem:s15] =	stream.linear.scatter [tilespmem:s7], [sflag:$0x3], $0x1400, $0x38;
	[tilespmem:$0x1FC00] =	vst v63  }
0x51: {  	_ =	swait.ge [sflag:s28], $0x1400  }
0x52: {  	[sflag:s28] =	ssyncset.done $0x0  }
0x53: {  	s14 =	rddreg [dreg:$0xd];
	[sflag:s28] =	ssyncadd.s32 $0xFFFFEC00  }
0x54: {  	[spmem:s14] =	stream.linear.scatter [tilespmem:s7], [sflag:$0x3], $0x1400, $0x38;
	[tilespmem:$0x1FC00] =	vst v63  }
0x55: {  	_ =	swait.ge [sflag:s28], $0x1400  }
0x56: {  	[sflag:s28] =	ssyncset.done $0x0  }
0x57: {  	[sflag:s28] =	ssyncadd.s32 $0xFFFFEC00  }
0x58: {  	[spmem:s16] =	stream.linear.scatter [tilespmem:s7], [sflag:$0x3], $0x1400, $0x38;
	[tilespmem:$0x1FC00] =	vst v63  }
0x59: {  	_ =	swait.ge [sflag:s28], $0x1400  }
0x5a: {  	[sflag:s28] =	ssyncset.done $0x0  }
0x5b: {  	[sflag:s28] =	ssyncadd.s32 $0xFFFFEC00  }
0x5c: {  	[spmem:s17] =	stream.linear.scatter [tilespmem:s7], [sflag:$0x3], $0x1400, $0x38;
	[tilespmem:$0x1FC00] =	vst v63  }
0x5d: {  	_ =	swait.ge [sflag:s28], $0x1400  }
0x5e: {  	[sflag:s28] =	ssyncset.done $0x0  }
0x5f: {  	[sflag:s28] =	ssyncadd.s32 $0xFFFFEC00  }
0x60: {  	[spmem:s18] =	stream.linear.scatter [tilespmem:s7], [sflag:$0x3], $0x1400, $0x38;
	[tilespmem:$0x1FC00] =	vst v63  }
0x61: {  	_ =	swait.ge [sflag:s28], $0x1400  }
0x62: {  	[sflag:s28] =	ssyncset.done $0x0  }
0x63: {  	[sflag:s28] =	ssyncadd.s32 $0xFFFFEC00  }
0x64: {  	[spmem:s19] =	stream.linear.scatter [tilespmem:s7], [sflag:$0x3], $0x1400, $0x38;
	[tilespmem:$0x1FC00] =	vst v63  }
0x65: {  	_ =	swait.ge [sflag:s28], $0x1400  }
0x66: {  	[sflag:s28] =	ssyncset.done $0x0  }
0x67: {  	[sflag:s28] =	ssyncadd.s32 $0xFFFFEC00  }
0x68: {  	[spmem:s20] =	stream.linear.scatter [tilespmem:s7], [sflag:$0x3], $0x1400, $0x38;
	[tilespmem:$0x1FC00] =	vst v63  }
0x69: {  	_ =	swait.ge [sflag:s28], $0x1400  }
0x6a: {  	[sflag:s28] =	ssyncset.done $0x0  }
0x6b: {  	[sflag:s28] =	ssyncadd.s32 $0xFFFFEC00  }
0x6c: {  	[spmem:s21] =	stream.linear.scatter [tilespmem:s7], [sflag:$0x3], $0x1400, $0x38;
	[tilespmem:$0x1FC00] =	vst v63  }
0x6d: {  	_ =	swait.ge [sflag:s28], $0x1400  }
0x6e: {  	[sflag:s28] =	ssyncset.done $0x0  }
0x6f: {  	[sflag:s28] =	ssyncadd.s32 $0xFFFFEC00  }
0x70: {  	[spmem:s22] =	stream.linear.scatter [tilespmem:s7], [sflag:$0x3], $0x1400, $0x38;
	[tilespmem:$0x1FC00] =	vst v63  }
0x71: {  	_ =	swait.ge [sflag:s28], $0x1400  }
0x72: {  	[sflag:s28] =	ssyncset.done $0x0  }
0x73: {  	[sflag:s28] =	ssyncadd.s32 $0xFFFFEC00  }
0x74: {  	[bflag:$0x0] =	sbarrier.arrive $0xFFFF  }
0x75: {  	_ =	swait.ge [sflag:s8], $0x3E80  }
0x76: {  	[sflag:s8] =	ssyncset.done $0x0  }
0x77: {  	s15 =	simm.s32 $0x1400;
	[sflag:s8] =	ssyncadd.s32 $0xFFFFC180  }
0x78: {  	[spmem:s3] =	stream.indirect.scatter.add.f32 [tilespmem:s31], [sflag:$0x3], $0x80, s15, s30, $0xb8;
	[tilespmem:$0x1FC00] =	vst v63  }
0x79: {  	_ =	swait.ge [sflag:s28], $0x3E80  }
0x7a: {  	[sflag:s28] =	ssyncset.done $0x0  }
0x7b: {  	s14 =	simm.s32 $0x100;
	[sflag:s28] =	ssyncadd.s32 $0xFFFFC180  }
0x7c: {  	[tilespmem:s31], [sflag:$0x1] =	stream.indirect.gather [hbm4b:s0+s30], $0x80, s14, s30, $0xb8;
	[tilespmem:$0x1FC00] =	vst v63  }
0x7d: {  	_ =	swait.ge [sflag:s9], $0x3E80  }
0x7e: {  	[sflag:s9] =	ssyncset.done $0x0  }
0x7f: {  	s15 =	simm.s32 $0x1480;
	[sflag:s9] =	ssyncadd.s32 $0xFFFFC180  }
0x80: {  	[spmem:s3] =	stream.indirect.scatter.add.f32 [tilespmem:s1], [sflag:$0x3], $0x80, s15, s30, $0xb8;
	[tilespmem:$0x1FC00] =	vst v63  }
0x81: {  	_ =	swait.ge [sflag:s28], $0x3E80  }
0x82: {  	[sflag:s28] =	ssyncset.done $0x0  }
0x83: {  	s13 =	simm.s32 $0x400;
	s14 =	simm.s32 $0x180;
	[sflag:s28] =	ssyncadd.s32 $0xFFFFC180  }
.LBB2_4:
0x84: {  	[tilespmem:s1], [sflag:$0x2] =	stream.indirect.gather [hbm4b:s0+s30], $0x80, s14, s30, $0xb8;
	[tilespmem:$0x1FC00] =	vst v63  }
0x85: {  	s14 =	smov.u32 s13  }
0x86: {  	p0 =	sne.s32 s13, $0x4800;
	s13 =	sadd.s32 $0x400, s13;
	_ =	swait.ge [sflag:s8], $0x3E80  }
0x87: {  	s14 =	sshra.s32 s14, $0x2;
	[sflag:s8] =	ssyncset.done $0x0  }
0x88: {  	s15 =	sadd.s32 $0x1400, s14;
	[sflag:s8] =	ssyncadd.s32 $0xFFFFC180  }
0x89: {  	[spmem:s3] =	stream.indirect.scatter.add.f32 [tilespmem:s31], [sflag:$0x3], $0x80, s15, s30, $0xb8;
	[tilespmem:$0x1FC00] =	vst v63  }
0x8a: {  	_ =	swait.ge [sflag:s28], $0x3E80  }
0x8b: {  	[sflag:s28] =	ssyncset.done $0x0  }
0x8c: {  	s15 =	sadd.s32 $0x100, s14;
	[sflag:s28] =	ssyncadd.s32 $0xFFFFC180  }
0x8d: {  	[tilespmem:s31], [sflag:$0x1] =	stream.indirect.gather [hbm4b:s0+s30], $0x80, s15, s30, $0xb8;
	[tilespmem:$0x1FC00] =	vst v63  }
0x8e: {  	_ =	swait.ge [sflag:s9], $0x3E80  }
0x8f: {  	[sflag:s9] =	ssyncset.done $0x0  }
.Ltmp1:
0x90: {  	s15 =	sadd.s32 $0x1480, s14;
	[sflag:s9] =	ssyncadd.s32 $0xFFFFC180;
	(pc) =	sbr.rel @p0 .LBB2_4-.Ltmp1, $4  }
0x91: {  	[spmem:s3] =	stream.indirect.scatter.add.f32 [tilespmem:s1], [sflag:$0x3], $0x80, s15, s30, $0xb8;
	[tilespmem:$0x1FC00] =	vst v63  }
0x92: {  	_ =	swait.ge [sflag:s28], $0x3E80  }
0x93: {  	[sflag:s28] =	ssyncset.done $0x0  }
0x94: {  	s14 =	sadd.s32 $0x180, s14;
	[sflag:s28] =	ssyncadd.s32 $0xFFFFC180  }
0x95: {  	[tilespmem:s1], [sflag:$0x2] =	stream.indirect.gather [hbm4b:s0+s30], $0x80, s14, s30, $0xb8;
	[tilespmem:$0x1FC00] =	vst v63  }
0x96: {  	_ =	swait.ge [sflag:s8], $0x3E80  }
0x97: {  	[sflag:s8] =	ssyncset.done $0x0  }
0x98: {  	[sflag:s8] =	ssyncadd.s32 $0xFFFFC180  }
0x99: {  	[spmem:s3] =	stream.indirect.scatter.add.f32 [tilespmem:s31], [sflag:$0x3], $0x80, s10, s30, $0xb8;
	[tilespmem:$0x1FC00] =	vst v63  }
0x9a: {  	_ =	swait.ge [sflag:s28], $0x3E80  }
0x9b: {  	[sflag:s28] =	ssyncset.done $0x0  }
0x9c: {  	[sflag:s28] =	ssyncadd.s32 $0xFFFFC180  }
0x9d: {  	_ =	swait.ge [sflag:s9], $0x3E80  }
0x9e: {  	[sflag:s9] =	ssyncset.done $0x0  }
0x9f: {  	[sflag:s9] =	ssyncadd.s32 $0xFFFFC180  }
0xa0: {  	[spmem:s3] =	stream.indirect.scatter.add.f32 [tilespmem:s1], [sflag:$0x3], $0x80, s11, s30, $0xb8;
	[tilespmem:$0x1FC00] =	vst v63  }
0xa1: {  	_ =	swait.ge [sflag:s28], $0x3E80  }
0xa2: {  	[sflag:s28] =	ssyncset.done $0x0  }
0xa3: {  	s13 =	simm.s32 $0x0;
	[sflag:s28] =	ssyncadd.s32 $0xFFFFC180  }
0xa4: {  	[tilespmem:s13], [sflag:$0x3] =	stream.linear.gather [hbm4b:s23+s13], $0x1400, $0x38;
	[tilespmem:$0x1FC00] =	vst v63  }
0xa5: {  	_ =	swait.ge [sflag:s28], $0x1400  }
0xa6: {  	[sflag:s28] =	ssyncset.done $0x0  }
0xa7: {  	[sflag:s28] =	ssyncadd.s32 $0xFFFFEC00  }
0xa8: {  	[tilespmem:s29], [sflag:$0x3] =	stream.linear.gather [hbm4b:s26+s13], $0x1400, $0x38;
	[tilespmem:$0x1FC00] =	vst v63  }
0xa9: {  	_ =	swait.ge [sflag:s28], $0x1400  }
0xaa: {  	[sflag:s28] =	ssyncset.done $0x0  }
0xab: {  	[sflag:s28] =	ssyncadd.s32 $0xFFFFEC00  }
0xac: {  	[tilespmem:s31], [sflag:$0x1] =	stream.indirect.gather [hbm4b:s0+s30], $0x80, s13, s30, $0xb8;
	[tilespmem:$0x1FC00] =	vst v63  }
0xad: {  	_ = 	snop  }
0xae: {  	[tilespmem:s1], [sflag:$0x2] =	stream.indirect.gather [hbm4b:s0+s30], $0x80, s2, s30, $0xb8;
	[tilespmem:$0x1FC00] =	vst v63  }
0xaf: {  	_ =	swait.ge [sflag:s8], $0x3E80  }
0xb0: {  	[sflag:s8] =	ssyncset.done $0x0  }
0xb1: {  	s15 =	simm.s32 $0x1400;
	[sflag:s8] =	ssyncadd.s32 $0xFFFFC180  }
0xb2: {  	[spmem:s3] =	stream.indirect.scatter.add.f32 [tilespmem:s31], [sflag:$0x3], $0x80, s15, s30, $0xb8;
	[tilespmem:$0x1FC00] =	vst v63  }
0xb3: {  	_ =	swait.ge [sflag:s28], $0x3E80  }
0xb4: {  	[sflag:s28] =	ssyncset.done $0x0  }
0xb5: {  	s14 =	simm.s32 $0x100;
	[sflag:s28] =	ssyncadd.s32 $0xFFFFC180  }
0xb6: {  	[tilespmem:s31], [sflag:$0x1] =	stream.indirect.gather [hbm4b:s0+s30], $0x80, s14, s30, $0xb8;
	[tilespmem:$0x1FC00] =	vst v63  }
0xb7: {  	_ =	swait.ge [sflag:s9], $0x3E80  }
0xb8: {  	[sflag:s9] =	ssyncset.done $0x0  }
0xb9: {  	s15 =	simm.s32 $0x1480;
	[sflag:s9] =	ssyncadd.s32 $0xFFFFC180  }
0xba: {  	[spmem:s3] =	stream.indirect.scatter.add.f32 [tilespmem:s1], [sflag:$0x3], $0x80, s15, s30, $0xb8;
	[tilespmem:$0x1FC00] =	vst v63  }
0xbb: {  	_ =	swait.ge [sflag:s28], $0x3E80  }
0xbc: {  	[sflag:s28] =	ssyncset.done $0x0  }
0xbd: {  	s13 =	simm.s32 $0x400;
	s14 =	simm.s32 $0x180;
	[sflag:s28] =	ssyncadd.s32 $0xFFFFC180  }
.LBB2_6:
0xbe: {  	[tilespmem:s1], [sflag:$0x2] =	stream.indirect.gather [hbm4b:s0+s30], $0x80, s14, s30, $0xb8;
	[tilespmem:$0x1FC00] =	vst v63  }
0xbf: {  	s14 =	smov.u32 s13  }
0xc0: {  	p0 =	sne.s32 s13, $0x4800;
	s13 =	sadd.s32 $0x400, s13;
	_ =	swait.ge [sflag:s8], $0x3E80  }
0xc1: {  	s14 =	sshra.s32 s14, $0x2;
	[sflag:s8] =	ssyncset.done $0x0  }
0xc2: {  	s15 =	sadd.s32 $0x1400, s14;
	[sflag:s8] =	ssyncadd.s32 $0xFFFFC180  }
0xc3: {  	[spmem:s3] =	stream.indirect.scatter.add.f32 [tilespmem:s31], [sflag:$0x3], $0x80, s15, s30, $0xb8;
	[tilespmem:$0x1FC00] =	vst v63  }
0xc4: {  	_ =	swait.ge [sflag:s28], $0x3E80  }
0xc5: {  	[sflag:s28] =	ssyncset.done $0x0  }
0xc6: {  	s15 =	sadd.s32 $0x100, s14;
	[sflag:s28] =	ssyncadd.s32 $0xFFFFC180  }
0xc7: {  	[tilespmem:s31], [sflag:$0x1] =	stream.indirect.gather [hbm4b:s0+s30], $0x80, s15, s30, $0xb8;
	[tilespmem:$0x1FC00] =	vst v63  }
0xc8: {  	_ =	swait.ge [sflag:s9], $0x3E80  }
0xc9: {  	[sflag:s9] =	ssyncset.done $0x0  }
.Ltmp2:
0xca: {  	s15 =	sadd.s32 $0x1480, s14;
	[sflag:s9] =	ssyncadd.s32 $0xFFFFC180;
	(pc) =	sbr.rel @p0 .LBB2_6-.Ltmp2, $4  }
0xcb: {  	[spmem:s3] =	stream.indirect.scatter.add.f32 [tilespmem:s1], [sflag:$0x3], $0x80, s15, s30, $0xb8;
	[tilespmem:$0x1FC00] =	vst v63  }
0xcc: {  	_ =	swait.ge [sflag:s28], $0x3E80  }
0xcd: {  	[sflag:s28] =	ssyncset.done $0x0  }
0xce: {  	s14 =	sadd.s32 $0x180, s14;
	[sflag:s28] =	ssyncadd.s32 $0xFFFFC180  }
0xcf: {  	[tilespmem:s1], [sflag:$0x2] =	stream.indirect.gather [hbm4b:s0+s30], $0x80, s14, s30, $0xb8;
	[tilespmem:$0x1FC00] =	vst v63  }
0xd0: {  	_ =	swait.ge [sflag:s8], $0x3E80  }
0xd1: {  	[sflag:s8] =	ssyncset.done $0x0  }
0xd2: {  	[sflag:s8] =	ssyncadd.s32 $0xFFFFC180  }
0xd3: {  	[spmem:s3] =	stream.indirect.scatter.add.f32 [tilespmem:s31], [sflag:$0x3], $0x80, s10, s30, $0xb8;
	[tilespmem:$0x1FC00] =	vst v63  }
0xd4: {  	_ =	swait.ge [sflag:s28], $0x3E80  }
0xd5: {  	[sflag:s28] =	ssyncset.done $0x0  }
0xd6: {  	[sflag:s28] =	ssyncadd.s32 $0xFFFFC180  }
0xd7: {  	_ =	swait.ge [sflag:s9], $0x3E80  }
0xd8: {  	[sflag:s9] =	ssyncset.done $0x0  }
0xd9: {  	[sflag:s9] =	ssyncadd.s32 $0xFFFFC180  }
0xda: {  	[spmem:s3] =	stream.indirect.scatter.add.f32 [tilespmem:s1], [sflag:$0x3], $0x80, s11, s30, $0xb8;
	[tilespmem:$0x1FC00] =	vst v63  }
0xdb: {  	s13 =	stileid.u32;
	_ =	swait.ge [sflag:s28], $0x3E80  }
0xdc: {  	s15 =	sshrl.u32 s6, $0x3;
	s12 =	sadd.s32 $0x1, s12;
	[sflag:s28] =	ssyncset.done $0x0  }
0xdd: {  	s13 =	sshll.u32 s13, $0x6;
	p0 =	sne.s32 s12, s25;
	[sflag:s28] =	ssyncadd.s32 $0xFFFFC180  }
.Ltmp3:
0xde: {  	s13 =	sor.u32 $0x1C03, s13;
	[bflag:$0x0] =	sbarrier.arrive $0xFFFF;
	(pc) =	sbr.rel @p0 .LBB2_1-.Ltmp3, $4  }
0xdf: {  	[hbm:s24], [sflag:s13] =	dma.local [spmem:s15], $0x2800  }
0xe0: {  	_ =	swait.ge [sflag:s28], $0x2800  }
0xe1: {  	[sflag:s28] =	ssyncset.done $0x0  }
0xe2: {  	[sflag:s28] =	ssyncadd.s32 $0xFFFFD800  }
0xe3: {  	_ =	sfence.sel $0x180000  }
0xe4: {  	[bflag:$0x0] =	sbarrier.arrive $0xFFFF  }
0xe5: {  	_ =	strace $0x90000047  }
0xe6: {  	s0 =	stileid.u32;
	[bflag:$0x2] =	sbarrier.arrive $0xFFFF  }
0xe7: {  	p0 =	sne.s32 s0, $0x0;
	s0 =	rddreg [dreg:$0x4]  }
0xe8: {  	s0 =	sadd.s32 @!p0 $0x100000, s0  }
0xe9: {  	[sflag:s0] =	ssyncadd.tile.s32 @!p0 $0x1;
	_ =	shalt  }
.Lfunc_end2:
_tile_overlayer_lowered:
.L_overlay_start_2:
0xea: {  	(tag) =	ssettag $0x2  }
0xeb: {  	s0 =	rddreg [dreg:$0x0];
	s2 =	stileid.u32  }
0xec: {  	s1 =	rddreg [dreg:$0x1];
	p0 =	sne.s32 s2, $0x0  }
0xed: {  	s3 =	rddreg [dreg:$0x2];
	[bflag:$0x3] =	sbarrier.arrive $0xFFFF;
	s2 =	simm.s32 @!p0 $0x1C03  }
0xee: {  	[timem:s3], [sflag:s2] =	dma.local @!p0 [hbm:s0], s1  }
0xef: {  	s0 =	simm.s32 @!p0 $0x3  }
0xf0: {  	_ =	swait.ge @!p0 [sflag:s0], s1  }
0xf1: {  	s1 =	ssub.s32 @!p0 $0x0, s1;
	[sflag:s0] =	ssyncset.done @!p0 $0x0  }
0xf2: {  	[sflag:s0] =	ssyncadd.s32 @!p0 s1  }
0xf3: {  	[bflag:$0x3] =	sbarrier.arrive $0xFFFF  }
0xf4: {  	_ =	shalt  }

</sc_bundles>
